<compile_context>
chip_gen: v7x
topology: tpu7x:2x2x1
jax: 0.10.2.dev20260603
libtpu: 0.0.44.dev20260713+nightly
codegen_flags: <defaults>
</compile_context>

<pallas_src>
import functools

import jax
import jax.numpy as jnp
from jax import lax
from jax.experimental import pallas as pl
from jax.experimental.pallas import tpu as pltpu
from jax.experimental.pallas import tpu_sc as plsc

_NUM_STATES = 8192
_N_SEQ = 4096
_SEQ_LEN = 512
_TOTAL = _N_SEQ * _SEQ_LEN
_NW = 32
_PER_W = _TOTAL // _NW
_CHUNK = 8192
_NCHUNK = _PER_W // _CHUNK
_GROUPS = _CHUNK // 128
_ITERS = _CHUNK // 16

_LN2 = 0.6931471805599453
_MANT = 0x007FFFFF
_ONE_BITS = 0x3F800000


def _idx_build_body(seq_ref, out_ref):
    x = seq_ref[...]
    shifted = jnp.concatenate(
        [x[:, 1:], jnp.zeros((128, 1), jnp.int32)], axis=1
    )
    col = jax.lax.broadcasted_iota(jnp.int32, (128, _SEQ_LEN), 1)
    idx = jnp.where(col == _SEQ_LEN - 1, x[:, 0:1], x * _NUM_STATES + shifted)
    out_ref[...] = idx.reshape(512, 128)


def _idx_build(sequences):
    return pl.pallas_call(
        _idx_build_body,
        grid=(_N_SEQ // 128,),
        in_specs=[pl.BlockSpec((128, _SEQ_LEN), lambda i: (i, 0))],
        out_specs=pl.BlockSpec((512, 128), lambda i: (i, 0)),
        out_shape=jax.ShapeDtypeStruct((_TOTAL // 128, 128), jnp.int32),
    )(sequences)


def _ln_residual(m):
    t = (m - 1.0) / (m + 1.0)
    t2 = t * t
    p = 1.0 / 9.0
    p = p * t2 + 1.0 / 7.0
    p = p * t2 + 1.0 / 5.0
    p = p * t2 + 1.0 / 3.0
    p = p * t2 + 1.0
    return 2.0 * t * p


def _sc_body(
    idx_hbm, table_hbm, init_hbm, out_hbm,
    idx_v0, idx_v1, val_v0, val_v1, ini_v0, ini_v1, acc_v,
    sem0, sem1,
):
    wid = lax.axis_index("s") * 2 + lax.axis_index("c")
    lane = lax.iota(jnp.int32, 16)
    c127 = jnp.full((16,), 127, jnp.int32)

    idx_bufs = (idx_v0, idx_v1)
    val_bufs = (val_v0, val_v1)
    ini_bufs = (ini_v0, ini_v1)
    sems = (sem0, sem1)

    def stage(c):
        idx_v, val_v, ini_v, sem = (
            idx_bufs[c % 2], val_bufs[c % 2], ini_bufs[c % 2], sems[c % 2]
        )
        row0 = (wid * _NCHUNK + c) * _GROUPS
        pltpu.sync_copy(idx_hbm.at[pl.ds(row0, _GROUPS)], idx_v)

        def fire(j, carry):
            pltpu.make_async_copy(
                table_hbm.at[idx_v.at[j]],
                val_v.at[pl.ds(j * 128, 128)],
                sem,
            ).start()
            return carry

        lax.fori_loop(0, _GROUPS, fire, 0)
        s0 = plsc.load_gather(idx_v, [lane * 4 + 3, c127])
        pltpu.make_async_copy(init_hbm.at[s0], ini_v, sem).start()

    def consume(c, state):
        idx_v, val_v, ini_v, sem = (
            idx_bufs[c % 2], val_bufs[c % 2], ini_bufs[c % 2], sems[c % 2]
        )

        def drain(j, carry):
            pltpu.make_async_copy(
                table_hbm.at[idx_v.at[j]],
                val_v.at[pl.ds(j * 128, 128)],
                sem,
            ).wait()
            return carry

        lax.fori_loop(0, _GROUPS, drain, 0)
        s0 = plsc.load_gather(idx_v, [lane * 4 + 3, c127])
        pltpu.make_async_copy(init_hbm.at[s0], ini_v, sem).wait()

        plsc.store_scatter(val_v, [lane * _SEQ_LEN + 511], ini_v[...])

        def prod_body(i, st):
            macc, eacc, vmin = st
            v = plsc.load_gather(val_v, [i * 16 + lane])
            m2 = macc * v
            bits = plsc.bitcast(m2, jnp.int32)
            eacc = eacc + (bits >> 23)
            macc = plsc.bitcast((bits & _MANT) | _ONE_BITS, jnp.float32)
            vmin = jnp.minimum(vmin, v)
            return macc, eacc, vmin

        return lax.fori_loop(0, _ITERS, prod_body, state)

    state = (
        jnp.ones((16,), jnp.float32),
        jnp.zeros((16,), jnp.int32),
        jnp.full((16,), jnp.inf, jnp.float32),
    )
    stage(0)
    for c in range(1, _NCHUNK):
        stage(c)
        state = consume(c - 1, state)
    state = consume(_NCHUNK - 1, state)

    macc, eacc, vmin = state
    n_per_lane = _ITERS * _NCHUNK
    ln_part = (eacc - 127 * n_per_lane).astype(jnp.float32) * _LN2 + _ln_residual(macc)
    acc_v[...] = jnp.where(vmin == 0.0, jnp.float32(-jnp.inf), ln_part)
    pltpu.sync_copy(acc_v, out_hbm.at[pl.ds(wid * 16, 16)])


_sc_sumlog = functools.partial(
    pl.kernel,
    mesh=plsc.VectorSubcoreMesh(core_axis_name="c", subcore_axis_name="s"),
    compiler_params=pltpu.CompilerParams(needs_layout_passes=False),
    out_type=jax.ShapeDtypeStruct((_NW * 16,), jnp.float32),
    scratch_types=[
        pltpu.VMEM((_GROUPS, 128), jnp.int32),
        pltpu.VMEM((_GROUPS, 128), jnp.int32),
        pltpu.VMEM((_CHUNK,), jnp.float32),
        pltpu.VMEM((_CHUNK,), jnp.float32),
        pltpu.VMEM((16,), jnp.float32),
        pltpu.VMEM((16,), jnp.float32),
        pltpu.VMEM((16,), jnp.float32),
        pltpu.SemaphoreType.DMA,
        pltpu.SemaphoreType.DMA,
    ],
)(_sc_body)


def kernel(sequences, initial_probs, transition_probs):
    table_flat = transition_probs.reshape(-1)
    idxflat = _idx_build(sequences)
    partials = _sc_sumlog(idxflat, table_flat, initial_probs)
    return jnp.sum(partials) / jnp.float32(_N_SEQ)

# --- scband reference (transcript-rebuilt; emitter-appended) ---
"""Pipeline reference for scband-markov-model-62079457296950 (READ-ONLY COPY).

The authoritative reference and input builder live on the scoring server;
editing this copy changes nothing except your own understanding.
"""

import jax, jax.numpy as jnp
import numpy as np

NUM_STATES = 8192
N_SEQ = 4096
SEQ_LEN = 512


def setup_inputs(seed: int = 0) -> dict:
    key = jax.random.key(seed)
    k1, k2, k3 = jax.random.split(key, 3)
    sequences = jax.random.randint(k1, (N_SEQ, SEQ_LEN), 0, NUM_STATES, dtype=jnp.int64 if jax.config.jax_enable_x64 else jnp.int32).astype(jnp.int32)
    # Learned (non-grad) parameters of MarkovModel: uniform-sampled then normalized,
    # exactly as reset_parameters() does.
    initial_probs = jax.random.uniform(k2, (NUM_STATES,), dtype=jnp.float32)
    initial_probs = initial_probs / initial_probs.sum()
    transition_probs = jax.random.uniform(k3, (NUM_STATES, NUM_STATES), dtype=jnp.float32)
    transition_probs = transition_probs / transition_probs.sum(axis=1, keepdims=True)
    return {"sequences": sequences, "initial_probs": initial_probs, "transition_probs": transition_probs}


def reference(sequences, initial_probs, transition_probs):
    # MarkovModel.evaluate: negative? (original returns mean log-likelihood) of sequences.
    # initial_log_probs = initial_probs[sequences[:, 0]].log()
    initial_log_probs = jnp.log(jnp.take(initial_probs, sequences[:, 0], axis=0))
    # _get_transitions: all consecutive (src, dst) pairs flattened to [-1, 2]
    src = sequences[:, :-1].reshape(-1)
    dst = sequences[:, 1:].reshape(-1)
    # transition_probs[transitions].log() -> gather at (src, dst)
    transition_log_probs = jnp.log(transition_probs[src, dst])
    log_prob = initial_log_probs.sum() + transition_log_probs.sum()
    return log_prob / sequences.shape[0]

if __name__ == "__main__":
    import jax
    _d = setup_inputs()
    print(jax.jit(kernel)(*tuple(_d.values())))

</pallas_src>

<mosaic_0001>
#map = affine_map<(d0, d1) -> (0, 0)>
#map1 = affine_map<(d0, d1) -> (0)>
module attributes {stable_mosaic.version = 14 : i64} {
  func.func @_sc_body(%arg0: i32, %arg1: i32, %arg2: memref<16384x128xi32, #tpu.memory_space<hbm>>, %arg3: memref<67108864xf32, #tpu.memory_space<hbm>>, %arg4: memref<8192xf32, #tpu.memory_space<hbm>>, %arg5: memref<512xf32, #tpu.memory_space<hbm>>, %arg6: memref<64x128xi32, #tpu.memory_space<vmem>>, %arg7: memref<64x128xi32, #tpu.memory_space<vmem>>, %arg8: memref<8192xf32, #tpu.memory_space<vmem>>, %arg9: memref<8192xf32, #tpu.memory_space<vmem>>, %arg10: memref<16xf32, #tpu.memory_space<vmem>>, %arg11: memref<16xf32, #tpu.memory_space<vmem>>, %arg12: memref<16xf32, #tpu.memory_space<vmem>>, %arg13: memref<!tpu.dma_semaphore, #tpu.memory_space<semaphore_mem>>, %arg14: memref<!tpu.dma_semaphore, #tpu.memory_space<semaphore_mem>>) attributes {dimension_semantics = [#tpu.dimension_semantics<core_parallel>, #tpu.dimension_semantics<subcore_parallel>], iteration_bounds = array<i64: 2, 16>, scalar_prefetch = 0 : i64, scratch_operands = 9 : i64, tpu.core_type = #tpu.core_type<sc_vector_subcore>, window_params = [{transform_indices = #map}, {transform_indices = #map1}, {transform_indices = #map1}, {transform_indices = #map1}]} {
    %mul3A = arith.constant 2 : i32
    %mul3A_0 = arith.muli %arg1, %mul3A : i32
    %add3A = arith.addi %mul3A_0, %arg0 : i32
    %iota3A = tpu.iota {dimensions = array<i32: 0>} : vector<16xi32>
    %broadcast_in_dim3A = arith.constant 127 : i32
    %broadcast_in_dim3A_1 = vector.broadcast %broadcast_in_dim3A : i32 to vector<16xi32>
    %broadcast_in_dim3A_2 = arith.constant 1.000000e+00 : f32
    %broadcast_in_dim3A_3 = vector.broadcast %broadcast_in_dim3A_2 : f32 to vector<16xf32>
    %broadcast_in_dim3A_4 = arith.constant 0 : i32
    %broadcast_in_dim3A_5 = vector.broadcast %broadcast_in_dim3A_4 : i32 to vector<16xi32>
    %broadcast_in_dim3A_6 = arith.constant 0x7F800000 : f32
    %broadcast_in_dim3A_7 = vector.broadcast %broadcast_in_dim3A_6 : f32 to vector<16xf32>
    %mul3A_8 = arith.constant 8 : i32
    %mul3A_9 = arith.muli %add3A, %mul3A_8 : i32
    %add3A_10 = arith.constant 0 : i32
    %add3A_11 = arith.addi %mul3A_9, %add3A_10 : i32
    %mul3A_12 = arith.constant 64 : i32
    %mul3A_13 = arith.muli %add3A_11, %mul3A_12 : i32
    "tpu.region"() ({
      %run_scoped3A = tpu.sem_alloc : memref<!tpu.dma_semaphore, #tpu.memory_space<semaphore_mem>>
      %dma_start3A_444 = arith.constant 0 : i32
      %dma_start3A_445 = tpu.memref_slice %arg2[%mul3A_13, %dma_start3A_444] : memref<16384x128xi32, #tpu.memory_space<hbm>> -> memref<64x128xi32, #tpu.memory_space<hbm>>
      %dma_start3A_446 = arith.constant 0 : i32
      %dma_start3A_447 = tpu.memref_slice %arg2[%mul3A_13, %dma_start3A_446] : memref<16384x128xi32, #tpu.memory_space<hbm>> -> memref<64x128xi32, #tpu.memory_space<hbm>>
      tpu.enqueue_dma source(%dma_start3A_447 : memref<64x128xi32, #tpu.memory_space<hbm>>) target(%arg6 : memref<64x128xi32, #tpu.memory_space<vmem>>) target_semaphore(%run_scoped3A : memref<!tpu.dma_semaphore, #tpu.memory_space<semaphore_mem>>)
      %dma_wait3A_448 = arith.constant 0 : i32
      %dma_wait3A_449 = tpu.memref_slice %arg2[%mul3A_13, %dma_wait3A_448] : memref<16384x128xi32, #tpu.memory_space<hbm>> -> memref<64x128xi32, #tpu.memory_space<hbm>>
      %dma_wait3A_450 = arith.constant 0 : i32
      %dma_wait3A_451 = tpu.memref_slice %arg2[%mul3A_13, %dma_wait3A_450] : memref<16384x128xi32, #tpu.memory_space<hbm>> -> memref<64x128xi32, #tpu.memory_space<hbm>>
      tpu.wait_dma2 semaphore(%run_scoped3A : memref<!tpu.dma_semaphore, #tpu.memory_space<semaphore_mem>>) src(%dma_wait3A_451 : memref<64x128xi32, #tpu.memory_space<hbm>>) dst(%arg6 : memref<64x128xi32, #tpu.memory_space<vmem>>)
      tpu.yield
    }) : () -> ()
    %scan3A = arith.constant 0 : i32
    %scan3A_14 = arith.constant 0 : i32
    %scan3A_15 = arith.constant 64 : i32
    %scan3A_16 = arith.addi %scan3A_14, %scan3A_15 : i32
    %scan3A_17 = arith.constant 1 : i32
    scf.for %scan3A_444 = %scan3A_14 to %scan3A_16 step %scan3A_17  : i32 {
      %mul3A_445 = arith.constant 128 : i32
      %mul3A_446 = arith.muli %scan3A_444, %mul3A_445 : i32
      %dma_start3A_447 = tpu.memref_slice %arg8[%mul3A_446] : memref<8192xf32, #tpu.memory_space<vmem>> -> memref<128xf32, #tpu.memory_space<vmem>>
      %dma_start3A_448 = arith.constant 0 : i32
      %dma_start3A_449 = tpu.memref_slice %arg6[%scan3A_444, %dma_start3A_448] : memref<64x128xi32, #tpu.memory_space<vmem>> -> memref<1x128xi32, #tpu.memory_space<vmem>>
      %dma_start3A_450 = tpu.memref_squeeze %dma_start3A_449 : memref<1x128xi32, #tpu.memory_space<vmem>> -> memref<128xi32, #tpu.memory_space<vmem>>
      %dma_start3A_451 = arith.constant 0 : i32
      %dma_start3A_452 = tpu.memref_slice %arg3[%dma_start3A_451] : memref<67108864xf32, #tpu.memory_space<hbm>> -> memref<67108864xf32, #tpu.memory_space<hbm>>
      tpu.enqueue_indirect_dma source(%dma_start3A_452 : memref<67108864xf32, #tpu.memory_space<hbm>>) target(%dma_start3A_447 : memref<128xf32, #tpu.memory_space<vmem>>) offsets(%dma_start3A_450 : memref<128xi32, #tpu.memory_space<vmem>>) semaphore(%arg13 : memref<!tpu.dma_semaphore, #tpu.memory_space<semaphore_mem>>)
    }
    %scan3A_18 = arith.constant 64 : i32
    %mul3A_19 = arith.constant 4 : i32
    %mul3A_20 = vector.broadcast %mul3A_19 : i32 to vector<16xi32>
    %mul3A_21 = arith.muli %iota3A, %mul3A_20 : vector<16xi32>
    %add3A_22 = arith.constant 3 : i32
    %add3A_23 = vector.broadcast %add3A_22 : i32 to vector<16xi32>
    %add3A_24 = arith.addi %mul3A_21, %add3A_23 : vector<16xi32>
    %gather3A = tpu.vector_load_idx %arg6[%add3A_24, %broadcast_in_dim3A_1] : memref<64x128xi32, #tpu.memory_space<vmem>>[vector<16xi32>, vector<16xi32>], vector<16xi32>,
    %dma_start3A = arith.constant 0 : i32
    %dma_start3A_25 = tpu.memref_slice %arg4[%dma_start3A] : memref<8192xf32, #tpu.memory_space<hbm>> -> memref<8192xf32, #tpu.memory_space<hbm>>
    tpu.enqueue_indirect_dma source(%dma_start3A_25 : memref<8192xf32, #tpu.memory_space<hbm>>) target(%arg10 : memref<16xf32, #tpu.memory_space<vmem>>) offsets(%gather3A : vector<16xi32>) semaphore(%arg13 : memref<!tpu.dma_semaphore, #tpu.memory_space<semaphore_mem>>)
    %mul3A_26 = arith.constant 8 : i32
    %mul3A_27 = arith.muli %add3A, %mul3A_26 : i32
    %add3A_28 = arith.constant 1 : i32
    %add3A_29 = arith.addi %mul3A_27, %add3A_28 : i32
    %mul3A_30 = arith.constant 64 : i32
    %mul3A_31 = arith.muli %add3A_29, %mul3A_30 : i32
    "tpu.region"() ({
      %run_scoped3A = tpu.sem_alloc : memref<!tpu.dma_semaphore, #tpu.memory_space<semaphore_mem>>
      %dma_start3A_444 = arith.constant 0 : i32
      %dma_start3A_445 = tpu.memref_slice %arg2[%mul3A_31, %dma_start3A_444] : memref<16384x128xi32, #tpu.memory_space<hbm>> -> memref<64x128xi32, #tpu.memory_space<hbm>>
      %dma_start3A_446 = arith.constant 0 : i32
      %dma_start3A_447 = tpu.memref_slice %arg2[%mul3A_31, %dma_start3A_446] : memref<16384x128xi32, #tpu.memory_space<hbm>> -> memref<64x128xi32, #tpu.memory_space<hbm>>
      tpu.enqueue_dma source(%dma_start3A_447 : memref<64x128xi32, #tpu.memory_space<hbm>>) target(%arg7 : memref<64x128xi32, #tpu.memory_space<vmem>>) target_semaphore(%run_scoped3A : memref<!tpu.dma_semaphore, #tpu.memory_space<semaphore_mem>>)
      %dma_wait3A_448 = arith.constant 0 : i32
      %dma_wait3A_449 = tpu.memref_slice %arg2[%mul3A_31, %dma_wait3A_448] : memref<16384x128xi32, #tpu.memory_space<hbm>> -> memref<64x128xi32, #tpu.memory_space<hbm>>
      %dma_wait3A_450 = arith.constant 0 : i32
      %dma_wait3A_451 = tpu.memref_slice %arg2[%mul3A_31, %dma_wait3A_450] : memref<16384x128xi32, #tpu.memory_space<hbm>> -> memref<64x128xi32, #tpu.memory_space<hbm>>
      tpu.wait_dma2 semaphore(%run_scoped3A : memref<!tpu.dma_semaphore, #tpu.memory_space<semaphore_mem>>) src(%dma_wait3A_451 : memref<64x128xi32, #tpu.memory_space<hbm>>) dst(%arg7 : memref<64x128xi32, #tpu.memory_space<vmem>>)
      tpu.yield
    }) : () -> ()
    %scan3A_32 = arith.constant 0 : i32
    %scan3A_33 = arith.constant 0 : i32
    %scan3A_34 = arith.constant 64 : i32
    %scan3A_35 = arith.addi %scan3A_33, %scan3A_34 : i32
    %scan3A_36 = arith.constant 1 : i32
    scf.for %scan3A_444 = %scan3A_33 to %scan3A_35 step %scan3A_36  : i32 {
      %mul3A_445 = arith.constant 128 : i32
      %mul3A_446 = arith.muli %scan3A_444, %mul3A_445 : i32
      %dma_start3A_447 = tpu.memref_slice %arg9[%mul3A_446] : memref<8192xf32, #tpu.memory_space<vmem>> -> memref<128xf32, #tpu.memory_space<vmem>>
      %dma_start3A_448 = arith.constant 0 : i32
      %dma_start3A_449 = tpu.memref_slice %arg7[%scan3A_444, %dma_start3A_448] : memref<64x128xi32, #tpu.memory_space<vmem>> -> memref<1x128xi32, #tpu.memory_space<vmem>>
      %dma_start3A_450 = tpu.memref_squeeze %dma_start3A_449 : memref<1x128xi32, #tpu.memory_space<vmem>> -> memref<128xi32, #tpu.memory_space<vmem>>
      %dma_start3A_451 = arith.constant 0 : i32
      %dma_start3A_452 = tpu.memref_slice %arg3[%dma_start3A_451] : memref<67108864xf32, #tpu.memory_space<hbm>> -> memref<67108864xf32, #tpu.memory_space<hbm>>
      tpu.enqueue_indirect_dma source(%dma_start3A_452 : memref<67108864xf32, #tpu.memory_space<hbm>>) target(%dma_start3A_447 : memref<128xf32, #tpu.memory_space<vmem>>) offsets(%dma_start3A_450 : memref<128xi32, #tpu.memory_space<vmem>>) semaphore(%arg14 : memref<!tpu.dma_semaphore, #tpu.memory_space<semaphore_mem>>)
    }
    %scan3A_37 = arith.constant 64 : i32
    %mul3A_38 = arith.constant 4 : i32
    %mul3A_39 = vector.broadcast %mul3A_38 : i32 to vector<16xi32>
    %mul3A_40 = arith.muli %iota3A, %mul3A_39 : vector<16xi32>
    %add3A_41 = arith.constant 3 : i32
    %add3A_42 = vector.broadcast %add3A_41 : i32 to vector<16xi32>
    %add3A_43 = arith.addi %mul3A_40, %add3A_42 : vector<16xi32>
    %gather3A_44 = tpu.vector_load_idx %arg7[%add3A_43, %broadcast_in_dim3A_1] : memref<64x128xi32, #tpu.memory_space<vmem>>[vector<16xi32>, vector<16xi32>], vector<16xi32>,
    %dma_start3A_45 = arith.constant 0 : i32
    %dma_start3A_46 = tpu.memref_slice %arg4[%dma_start3A_45] : memref<8192xf32, #tpu.memory_space<hbm>> -> memref<8192xf32, #tpu.memory_space<hbm>>
    tpu.enqueue_indirect_dma source(%dma_start3A_46 : memref<8192xf32, #tpu.memory_space<hbm>>) target(%arg11 : memref<16xf32, #tpu.memory_space<vmem>>) offsets(%gather3A_44 : vector<16xi32>) semaphore(%arg14 : memref<!tpu.dma_semaphore, #tpu.memory_space<semaphore_mem>>)
    %scan3A_47 = arith.constant 0 : i32
    %scan3A_48 = arith.constant 0 : i32
    %scan3A_49 = arith.constant 64 : i32
    %scan3A_50 = arith.addi %scan3A_48, %scan3A_49 : i32
    %scan3A_51 = arith.constant 1 : i32
    scf.for %scan3A_444 = %scan3A_48 to %scan3A_50 step %scan3A_51  : i32 {
      %mul3A_445 = arith.constant 128 : i32
      %mul3A_446 = arith.muli %scan3A_444, %mul3A_445 : i32
      %dma_wait3A_447 = tpu.memref_slice %arg8[%mul3A_446] : memref<8192xf32, #tpu.memory_space<vmem>> -> memref<128xf32, #tpu.memory_space<vmem>>
      %dma_wait3A_448 = arith.constant 0 : i32
      %dma_wait3A_449 = tpu.memref_slice %arg6[%scan3A_444, %dma_wait3A_448] : memref<64x128xi32, #tpu.memory_space<vmem>> -> memref<1x128xi32, #tpu.memory_space<vmem>>
      %dma_wait3A_450 = tpu.memref_squeeze %dma_wait3A_449 : memref<1x128xi32, #tpu.memory_space<vmem>> -> memref<128xi32, #tpu.memory_space<vmem>>
      %dma_wait3A_451 = arith.constant 0 : i32
      %dma_wait3A_452 = tpu.memref_slice %arg3[%dma_wait3A_451] : memref<67108864xf32, #tpu.memory_space<hbm>> -> memref<67108864xf32, #tpu.memory_space<hbm>>
      tpu.wait_indirect_dma semaphore(%arg13 : memref<!tpu.dma_semaphore, #tpu.memory_space<semaphore_mem>>) src(%dma_wait3A_452 : memref<67108864xf32, #tpu.memory_space<hbm>>) dst(%dma_wait3A_447 : memref<128xf32, #tpu.memory_space<vmem>>)
    }
    %scan3A_52 = arith.constant 64 : i32
    %mul3A_53 = arith.constant 4 : i32
    %mul3A_54 = vector.broadcast %mul3A_53 : i32 to vector<16xi32>
    %mul3A_55 = arith.muli %iota3A, %mul3A_54 : vector<16xi32>
    %add3A_56 = arith.constant 3 : i32
    %add3A_57 = vector.broadcast %add3A_56 : i32 to vector<16xi32>
    %add3A_58 = arith.addi %mul3A_55, %add3A_57 : vector<16xi32>
    %gather3A_59 = tpu.vector_load_idx %arg6[%add3A_58, %broadcast_in_dim3A_1] : memref<64x128xi32, #tpu.memory_space<vmem>>[vector<16xi32>, vector<16xi32>], vector<16xi32>,
    %dma_wait3A = arith.constant 0 : i32
    %dma_wait3A_60 = tpu.memref_slice %arg4[%dma_wait3A] : memref<8192xf32, #tpu.memory_space<hbm>> -> memref<8192xf32, #tpu.memory_space<hbm>>
    tpu.wait_indirect_dma semaphore(%arg13 : memref<!tpu.dma_semaphore, #tpu.memory_space<semaphore_mem>>) src(%dma_wait3A_60 : memref<8192xf32, #tpu.memory_space<hbm>>) dst(%arg10 : memref<16xf32, #tpu.memory_space<vmem>>)
    %mul3A_61 = arith.constant 512 : i32
    %mul3A_62 = vector.broadcast %mul3A_61 : i32 to vector<16xi32>
    %mul3A_63 = arith.muli %iota3A, %mul3A_62 : vector<16xi32>
    %add3A_64 = arith.constant 511 : i32
    %add3A_65 = vector.broadcast %add3A_64 : i32 to vector<16xi32>
    %add3A_66 = arith.addi %mul3A_63, %add3A_65 : vector<16xi32>
    %get3A = arith.constant 0 : index
    %get3A_67 = tpu.vector_load %arg10[%get3A] {strides = array<i32>} : memref<16xf32, #tpu.memory_space<vmem>>, vector<16xf32>,
    tpu.vector_store_idx %arg8[%add3A_66], %get3A_67 : memref<8192xf32, #tpu.memory_space<vmem>>[vector<16xi32>], vector<16xf32>,
    %scan3A_68 = arith.constant 0 : i32
    %scan3A_69 = arith.constant 512 : i32
    %scan3A_70 = arith.addi %scan3A_68, %scan3A_69 : i32
    %scan3A_71 = arith.constant 1 : i32
    %scan3A_72:3 = scf.for %scan3A_444 = %scan3A_68 to %scan3A_70 step %scan3A_71 iter_args(%scan3A_445 = %broadcast_in_dim3A_3, %scan3A_446 = %broadcast_in_dim3A_5, %scan3A_447 = %broadcast_in_dim3A_7) -> (vector<16xf32>, vector<16xi32>, vector<16xf32>)  : i32 {
      %mul3A_448 = arith.constant 16 : i32
      %mul3A_449 = arith.muli %scan3A_444, %mul3A_448 : i32
      %add3A_450 = vector.broadcast %mul3A_449 : i32 to vector<16xi32>
      %add3A_451 = arith.addi %add3A_450, %iota3A : vector<16xi32>
      %gather3A_452 = tpu.vector_load_idx %arg8[%add3A_451] : memref<8192xf32, #tpu.memory_space<vmem>>[vector<16xi32>], vector<16xf32>,
      %mul3A_453 = arith.mulf %scan3A_445, %gather3A_452 : vector<16xf32>
      %bitcast3A = vector.bitcast %mul3A_453 : vector<16xf32> to vector<16xi32>
      %shift_right_arithmetic3A = arith.constant 23 : i32
      %shift_right_arithmetic3A_454 = vector.broadcast %shift_right_arithmetic3A : i32 to vector<16xi32>
      %shift_right_arithmetic3A_455 = arith.shrsi %bitcast3A, %shift_right_arithmetic3A_454 : vector<16xi32>
      %add3A_456 = arith.addi %scan3A_446, %shift_right_arithmetic3A_455 : vector<16xi32>
      %and3A = arith.constant 8388607 : i32
      %and3A_457 = vector.broadcast %and3A : i32 to vector<16xi32>
      %and3A_458 = arith.andi %bitcast3A, %and3A_457 : vector<16xi32>
      %or3A = arith.constant 1065353216 : i32
      %or3A_459 = vector.broadcast %or3A : i32 to vector<16xi32>
      %or3A_460 = arith.ori %and3A_458, %or3A_459 : vector<16xi32>
      %bitcast3A_461 = vector.bitcast %or3A_460 : vector<16xi32> to vector<16xf32>
      %min3A = arith.minimumf %scan3A_447, %gather3A_452 : vector<16xf32>
      scf.yield %bitcast3A_461, %add3A_456, %min3A : vector<16xf32>, vector<16xi32>, vector<16xf32>
    }
    %scan3A_73 = arith.constant 512 : i32
    %mul3A_74 = arith.constant 8 : i32
    %mul3A_75 = arith.muli %add3A, %mul3A_74 : i32
    %add3A_76 = arith.constant 2 : i32
    %add3A_77 = arith.addi %mul3A_75, %add3A_76 : i32
    %mul3A_78 = arith.constant 64 : i32
    %mul3A_79 = arith.muli %add3A_77, %mul3A_78 : i32
    "tpu.region"() ({
      %run_scoped3A = tpu.sem_alloc : memref<!tpu.dma_semaphore, #tpu.memory_space<semaphore_mem>>
      %dma_start3A_444 = arith.constant 0 : i32
      %dma_start3A_445 = tpu.memref_slice %arg2[%mul3A_79, %dma_start3A_444] : memref<16384x128xi32, #tpu.memory_space<hbm>> -> memref<64x128xi32, #tpu.memory_space<hbm>>
      %dma_start3A_446 = arith.constant 0 : i32
      %dma_start3A_447 = tpu.memref_slice %arg2[%mul3A_79, %dma_start3A_446] : memref<16384x128xi32, #tpu.memory_space<hbm>> -> memref<64x128xi32, #tpu.memory_space<hbm>>
      tpu.enqueue_dma source(%dma_start3A_447 : memref<64x128xi32, #tpu.memory_space<hbm>>) target(%arg6 : memref<64x128xi32, #tpu.memory_space<vmem>>) target_semaphore(%run_scoped3A : memref<!tpu.dma_semaphore, #tpu.memory_space<semaphore_mem>>)
      %dma_wait3A_448 = arith.constant 0 : i32
      %dma_wait3A_449 = tpu.memref_slice %arg2[%mul3A_79, %dma_wait3A_448] : memref<16384x128xi32, #tpu.memory_space<hbm>> -> memref<64x128xi32, #tpu.memory_space<hbm>>
      %dma_wait3A_450 = arith.constant 0 : i32
      %dma_wait3A_451 = tpu.memref_slice %arg2[%mul3A_79, %dma_wait3A_450] : memref<16384x128xi32, #tpu.memory_space<hbm>> -> memref<64x128xi32, #tpu.memory_space<hbm>>
      tpu.wait_dma2 semaphore(%run_scoped3A : memref<!tpu.dma_semaphore, #tpu.memory_space<semaphore_mem>>) src(%dma_wait3A_451 : memref<64x128xi32, #tpu.memory_space<hbm>>) dst(%arg6 : memref<64x128xi32, #tpu.memory_space<vmem>>)
      tpu.yield
    }) : () -> ()
    %scan3A_80 = arith.constant 0 : i32
    %scan3A_81 = arith.constant 0 : i32
    %scan3A_82 = arith.constant 64 : i32
    %scan3A_83 = arith.addi %scan3A_81, %scan3A_82 : i32
    %scan3A_84 = arith.constant 1 : i32
    scf.for %scan3A_444 = %scan3A_81 to %scan3A_83 step %scan3A_84  : i32 {
      %mul3A_445 = arith.constant 128 : i32
      %mul3A_446 = arith.muli %scan3A_444, %mul3A_445 : i32
      %dma_start3A_447 = tpu.memref_slice %arg8[%mul3A_446] : memref<8192xf32, #tpu.memory_space<vmem>> -> memref<128xf32, #tpu.memory_space<vmem>>
      %dma_start3A_448 = arith.constant 0 : i32
      %dma_start3A_449 = tpu.memref_slice %arg6[%scan3A_444, %dma_start3A_448] : memref<64x128xi32, #tpu.memory_space<vmem>> -> memref<1x128xi32, #tpu.memory_space<vmem>>
      %dma_start3A_450 = tpu.memref_squeeze %dma_start3A_449 : memref<1x128xi32, #tpu.memory_space<vmem>> -> memref<128xi32, #tpu.memory_space<vmem>>
      %dma_start3A_451 = arith.constant 0 : i32
      %dma_start3A_452 = tpu.memref_slice %arg3[%dma_start3A_451] : memref<67108864xf32, #tpu.memory_space<hbm>> -> memref<67108864xf32, #tpu.memory_space<hbm>>
      tpu.enqueue_indirect_dma source(%dma_start3A_452 : memref<67108864xf32, #tpu.memory_space<hbm>>) target(%dma_start3A_447 : memref<128xf32, #tpu.memory_space<vmem>>) offsets(%dma_start3A_450 : memref<128xi32, #tpu.memory_space<vmem>>) semaphore(%arg13 : memref<!tpu.dma_semaphore, #tpu.memory_space<semaphore_mem>>)
    }
    %scan3A_85 = arith.constant 64 : i32
    %mul3A_86 = arith.constant 4 : i32
    %mul3A_87 = vector.broadcast %mul3A_86 : i32 to vector<16xi32>
    %mul3A_88 = arith.muli %iota3A, %mul3A_87 : vector<16xi32>
    %add3A_89 = arith.constant 3 : i32
    %add3A_90 = vector.broadcast %add3A_89 : i32 to vector<16xi32>
    %add3A_91 = arith.addi %mul3A_88, %add3A_90 : vector<16xi32>
    %gather3A_92 = tpu.vector_load_idx %arg6[%add3A_91, %broadcast_in_dim3A_1] : memref<64x128xi32, #tpu.memory_space<vmem>>[vector<16xi32>, vector<16xi32>], vector<16xi32>,
    %dma_start3A_93 = arith.constant 0 : i32
    %dma_start3A_94 = tpu.memref_slice %arg4[%dma_start3A_93] : memref<8192xf32, #tpu.memory_space<hbm>> -> memref<8192xf32, #tpu.memory_space<hbm>>
    tpu.enqueue_indirect_dma source(%dma_start3A_94 : memref<8192xf32, #tpu.memory_space<hbm>>) target(%arg10 : memref<16xf32, #tpu.memory_space<vmem>>) offsets(%gather3A_92 : vector<16xi32>) semaphore(%arg13 : memref<!tpu.dma_semaphore, #tpu.memory_space<semaphore_mem>>)
    %scan3A_95 = arith.constant 0 : i32
    %scan3A_96 = arith.constant 0 : i32
    %scan3A_97 = arith.constant 64 : i32
    %scan3A_98 = arith.addi %scan3A_96, %scan3A_97 : i32
    %scan3A_99 = arith.constant 1 : i32
    scf.for %scan3A_444 = %scan3A_96 to %scan3A_98 step %scan3A_99  : i32 {
      %mul3A_445 = arith.constant 128 : i32
      %mul3A_446 = arith.muli %scan3A_444, %mul3A_445 : i32
      %dma_wait3A_447 = tpu.memref_slice %arg9[%mul3A_446] : memref<8192xf32, #tpu.memory_space<vmem>> -> memref<128xf32, #tpu.memory_space<vmem>>
      %dma_wait3A_448 = arith.constant 0 : i32
      %dma_wait3A_449 = tpu.memref_slice %arg7[%scan3A_444, %dma_wait3A_448] : memref<64x128xi32, #tpu.memory_space<vmem>> -> memref<1x128xi32, #tpu.memory_space<vmem>>
      %dma_wait3A_450 = tpu.memref_squeeze %dma_wait3A_449 : memref<1x128xi32, #tpu.memory_space<vmem>> -> memref<128xi32, #tpu.memory_space<vmem>>
      %dma_wait3A_451 = arith.constant 0 : i32
      %dma_wait3A_452 = tpu.memref_slice %arg3[%dma_wait3A_451] : memref<67108864xf32, #tpu.memory_space<hbm>> -> memref<67108864xf32, #tpu.memory_space<hbm>>
      tpu.wait_indirect_dma semaphore(%arg14 : memref<!tpu.dma_semaphore, #tpu.memory_space<semaphore_mem>>) src(%dma_wait3A_452 : memref<67108864xf32, #tpu.memory_space<hbm>>) dst(%dma_wait3A_447 : memref<128xf32, #tpu.memory_space<vmem>>)
    }
    %scan3A_100 = arith.constant 64 : i32
    %mul3A_101 = arith.constant 4 : i32
    %mul3A_102 = vector.broadcast %mul3A_101 : i32 to vector<16xi32>
    %mul3A_103 = arith.muli %iota3A, %mul3A_102 : vector<16xi32>
    %add3A_104 = arith.constant 3 : i32
    %add3A_105 = vector.broadcast %add3A_104 : i32 to vector<16xi32>
    %add3A_106 = arith.addi %mul3A_103, %add3A_105 : vector<16xi32>
    %gather3A_107 = tpu.vector_load_idx %arg7[%add3A_106, %broadcast_in_dim3A_1] : memref<64x128xi32, #tpu.memory_space<vmem>>[vector<16xi32>, vector<16xi32>], vector<16xi32>,
    %dma_wait3A_108 = arith.constant 0 : i32
    %dma_wait3A_109 = tpu.memref_slice %arg4[%dma_wait3A_108] : memref<8192xf32, #tpu.memory_space<hbm>> -> memref<8192xf32, #tpu.memory_space<hbm>>
    tpu.wait_indirect_dma semaphore(%arg14 : memref<!tpu.dma_semaphore, #tpu.memory_space<semaphore_mem>>) src(%dma_wait3A_109 : memref<8192xf32, #tpu.memory_space<hbm>>) dst(%arg11 : memref<16xf32, #tpu.memory_space<vmem>>)
    %mul3A_110 = arith.constant 512 : i32
    %mul3A_111 = vector.broadcast %mul3A_110 : i32 to vector<16xi32>
    %mul3A_112 = arith.muli %iota3A, %mul3A_111 : vector<16xi32>
    %add3A_113 = arith.constant 511 : i32
    %add3A_114 = vector.broadcast %add3A_113 : i32 to vector<16xi32>
    %add3A_115 = arith.addi %mul3A_112, %add3A_114 : vector<16xi32>
    %get3A_116 = arith.constant 0 : index
    %get3A_117 = tpu.vector_load %arg11[%get3A_116] {strides = array<i32>} : memref<16xf32, #tpu.memory_space<vmem>>, vector<16xf32>,
    tpu.vector_store_idx %arg9[%add3A_115], %get3A_117 : memref<8192xf32, #tpu.memory_space<vmem>>[vector<16xi32>], vector<16xf32>,
    %scan3A_118 = arith.constant 0 : i32
    %scan3A_119 = arith.constant 512 : i32
    %scan3A_120 = arith.addi %scan3A_118, %scan3A_119 : i32
    %scan3A_121 = arith.constant 1 : i32
    %scan3A_122:3 = scf.for %scan3A_444 = %scan3A_118 to %scan3A_120 step %scan3A_121 iter_args(%scan3A_445 = %scan3A_72#0, %scan3A_446 = %scan3A_72#1, %scan3A_447 = %scan3A_72#2) -> (vector<16xf32>, vector<16xi32>, vector<16xf32>)  : i32 {
      %mul3A_448 = arith.constant 16 : i32
      %mul3A_449 = arith.muli %scan3A_444, %mul3A_448 : i32
      %add3A_450 = vector.broadcast %mul3A_449 : i32 to vector<16xi32>
      %add3A_451 = arith.addi %add3A_450, %iota3A : vector<16xi32>
      %gather3A_452 = tpu.vector_load_idx %arg9[%add3A_451] : memref<8192xf32, #tpu.memory_space<vmem>>[vector<16xi32>], vector<16xf32>,
      %mul3A_453 = arith.mulf %scan3A_445, %gather3A_452 : vector<16xf32>
      %bitcast3A = vector.bitcast %mul3A_453 : vector<16xf32> to vector<16xi32>
      %shift_right_arithmetic3A = arith.constant 23 : i32
      %shift_right_arithmetic3A_454 = vector.broadcast %shift_right_arithmetic3A : i32 to vector<16xi32>
      %shift_right_arithmetic3A_455 = arith.shrsi %bitcast3A, %shift_right_arithmetic3A_454 : vector<16xi32>
      %add3A_456 = arith.addi %scan3A_446, %shift_right_arithmetic3A_455 : vector<16xi32>
      %and3A = arith.constant 8388607 : i32
      %and3A_457 = vector.broadcast %and3A : i32 to vector<16xi32>
      %and3A_458 = arith.andi %bitcast3A, %and3A_457 : vector<16xi32>
      %or3A = arith.constant 1065353216 : i32
      %or3A_459 = vector.broadcast %or3A : i32 to vector<16xi32>
      %or3A_460 = arith.ori %and3A_458, %or3A_459 : vector<16xi32>
      %bitcast3A_461 = vector.bitcast %or3A_460 : vector<16xi32> to vector<16xf32>
      %min3A = arith.minimumf %scan3A_447, %gather3A_452 : vector<16xf32>
      scf.yield %bitcast3A_461, %add3A_456, %min3A : vector<16xf32>, vector<16xi32>, vector<16xf32>
    }
    %scan3A_123 = arith.constant 512 : i32
    %mul3A_124 = arith.constant 8 : i32
    %mul3A_125 = arith.muli %add3A, %mul3A_124 : i32
    %add3A_126 = arith.constant 3 : i32
    %add3A_127 = arith.addi %mul3A_125, %add3A_126 : i32
    %mul3A_128 = arith.constant 64 : i32
    %mul3A_129 = arith.muli %add3A_127, %mul3A_128 : i32
    "tpu.region"() ({
      %run_scoped3A = tpu.sem_alloc : memref<!tpu.dma_semaphore, #tpu.memory_space<semaphore_mem>>
      %dma_start3A_444 = arith.constant 0 : i32
      %dma_start3A_445 = tpu.memref_slice %arg2[%mul3A_129, %dma_start3A_444] : memref<16384x128xi32, #tpu.memory_space<hbm>> -> memref<64x128xi32, #tpu.memory_space<hbm>>
      %dma_start3A_446 = arith.constant 0 : i32
      %dma_start3A_447 = tpu.memref_slice %arg2[%mul3A_129, %dma_start3A_446] : memref<16384x128xi32, #tpu.memory_space<hbm>> -> memref<64x128xi32, #tpu.memory_space<hbm>>
      tpu.enqueue_dma source(%dma_start3A_447 : memref<64x128xi32, #tpu.memory_space<hbm>>) target(%arg7 : memref<64x128xi32, #tpu.memory_space<vmem>>) target_semaphore(%run_scoped3A : memref<!tpu.dma_semaphore, #tpu.memory_space<semaphore_mem>>)
      %dma_wait3A_448 = arith.constant 0 : i32
      %dma_wait3A_449 = tpu.memref_slice %arg2[%mul3A_129, %dma_wait3A_448] : memref<16384x128xi32, #tpu.memory_space<hbm>> -> memref<64x128xi32, #tpu.memory_space<hbm>>
      %dma_wait3A_450 = arith.constant 0 : i32
      %dma_wait3A_451 = tpu.memref_slice %arg2[%mul3A_129, %dma_wait3A_450] : memref<16384x128xi32, #tpu.memory_space<hbm>> -> memref<64x128xi32, #tpu.memory_space<hbm>>
      tpu.wait_dma2 semaphore(%run_scoped3A : memref<!tpu.dma_semaphore, #tpu.memory_space<semaphore_mem>>) src(%dma_wait3A_451 : memref<64x128xi32, #tpu.memory_space<hbm>>) dst(%arg7 : memref<64x128xi32, #tpu.memory_space<vmem>>)
      tpu.yield
    }) : () -> ()
    %scan3A_130 = arith.constant 0 : i32
    %scan3A_131 = arith.constant 0 : i32
    %scan3A_132 = arith.constant 64 : i32
    %scan3A_133 = arith.addi %scan3A_131, %scan3A_132 : i32
    %scan3A_134 = arith.constant 1 : i32
    scf.for %scan3A_444 = %scan3A_131 to %scan3A_133 step %scan3A_134  : i32 {
      %mul3A_445 = arith.constant 128 : i32
      %mul3A_446 = arith.muli %scan3A_444, %mul3A_445 : i32
      %dma_start3A_447 = tpu.memref_slice %arg9[%mul3A_446] : memref<8192xf32, #tpu.memory_space<vmem>> -> memref<128xf32, #tpu.memory_space<vmem>>
      %dma_start3A_448 = arith.constant 0 : i32
      %dma_start3A_449 = tpu.memref_slice %arg7[%scan3A_444, %dma_start3A_448] : memref<64x128xi32, #tpu.memory_space<vmem>> -> memref<1x128xi32, #tpu.memory_space<vmem>>
      %dma_start3A_450 = tpu.memref_squeeze %dma_start3A_449 : memref<1x128xi32, #tpu.memory_space<vmem>> -> memref<128xi32, #tpu.memory_space<vmem>>
      %dma_start3A_451 = arith.constant 0 : i32
      %dma_start3A_452 = tpu.memref_slice %arg3[%dma_start3A_451] : memref<67108864xf32, #tpu.memory_space<hbm>> -> memref<67108864xf32, #tpu.memory_space<hbm>>
      tpu.enqueue_indirect_dma source(%dma_start3A_452 : memref<67108864xf32, #tpu.memory_space<hbm>>) target(%dma_start3A_447 : memref<128xf32, #tpu.memory_space<vmem>>) offsets(%dma_start3A_450 : memref<128xi32, #tpu.memory_space<vmem>>) semaphore(%arg14 : memref<!tpu.dma_semaphore, #tpu.memory_space<semaphore_mem>>)
    }
    %scan3A_135 = arith.constant 64 : i32
    %mul3A_136 = arith.constant 4 : i32
    %mul3A_137 = vector.broadcast %mul3A_136 : i32 to vector<16xi32>
    %mul3A_138 = arith.muli %iota3A, %mul3A_137 : vector<16xi32>
    %add3A_139 = arith.constant 3 : i32
    %add3A_140 = vector.broadcast %add3A_139 : i32 to vector<16xi32>
    %add3A_141 = arith.addi %mul3A_138, %add3A_140 : vector<16xi32>
    %gather3A_142 = tpu.vector_load_idx %arg7[%add3A_141, %broadcast_in_dim3A_1] : memref<64x128xi32, #tpu.memory_space<vmem>>[vector<16xi32>, vector<16xi32>], vector<16xi32>,
    %dma_start3A_143 = arith.constant 0 : i32
    %dma_start3A_144 = tpu.memref_slice %arg4[%dma_start3A_143] : memref<8192xf32, #tpu.memory_space<hbm>> -> memref<8192xf32, #tpu.memory_space<hbm>>
    tpu.enqueue_indirect_dma source(%dma_start3A_144 : memref<8192xf32, #tpu.memory_space<hbm>>) target(%arg11 : memref<16xf32, #tpu.memory_space<vmem>>) offsets(%gather3A_142 : vector<16xi32>) semaphore(%arg14 : memref<!tpu.dma_semaphore, #tpu.memory_space<semaphore_mem>>)
    %scan3A_145 = arith.constant 0 : i32
    %scan3A_146 = arith.constant 0 : i32
    %scan3A_147 = arith.constant 64 : i32
    %scan3A_148 = arith.addi %scan3A_146, %scan3A_147 : i32
    %scan3A_149 = arith.constant 1 : i32
    scf.for %scan3A_444 = %scan3A_146 to %scan3A_148 step %scan3A_149  : i32 {
      %mul3A_445 = arith.constant 128 : i32
      %mul3A_446 = arith.muli %scan3A_444, %mul3A_445 : i32
      %dma_wait3A_447 = tpu.memref_slice %arg8[%mul3A_446] : memref<8192xf32, #tpu.memory_space<vmem>> -> memref<128xf32, #tpu.memory_space<vmem>>
      %dma_wait3A_448 = arith.constant 0 : i32
      %dma_wait3A_449 = tpu.memref_slice %arg6[%scan3A_444, %dma_wait3A_448] : memref<64x128xi32, #tpu.memory_space<vmem>> -> memref<1x128xi32, #tpu.memory_space<vmem>>
      %dma_wait3A_450 = tpu.memref_squeeze %dma_wait3A_449 : memref<1x128xi32, #tpu.memory_space<vmem>> -> memref<128xi32, #tpu.memory_space<vmem>>
      %dma_wait3A_451 = arith.constant 0 : i32
      %dma_wait3A_452 = tpu.memref_slice %arg3[%dma_wait3A_451] : memref<67108864xf32, #tpu.memory_space<hbm>> -> memref<67108864xf32, #tpu.memory_space<hbm>>
      tpu.wait_indirect_dma semaphore(%arg13 : memref<!tpu.dma_semaphore, #tpu.memory_space<semaphore_mem>>) src(%dma_wait3A_452 : memref<67108864xf32, #tpu.memory_space<hbm>>) dst(%dma_wait3A_447 : memref<128xf32, #tpu.memory_space<vmem>>)
    }
    %scan3A_150 = arith.constant 64 : i32
    %mul3A_151 = arith.constant 4 : i32
    %mul3A_152 = vector.broadcast %mul3A_151 : i32 to vector<16xi32>
    %mul3A_153 = arith.muli %iota3A, %mul3A_152 : vector<16xi32>
    %add3A_154 = arith.constant 3 : i32
    %add3A_155 = vector.broadcast %add3A_154 : i32 to vector<16xi32>
    %add3A_156 = arith.addi %mul3A_153, %add3A_155 : vector<16xi32>
    %gather3A_157 = tpu.vector_load_idx %arg6[%add3A_156, %broadcast_in_dim3A_1] : memref<64x128xi32, #tpu.memory_space<vmem>>[vector<16xi32>, vector<16xi32>], vector<16xi32>,
    %dma_wait3A_158 = arith.constant 0 : i32
    %dma_wait3A_159 = tpu.memref_slice %arg4[%dma_wait3A_158] : memref<8192xf32, #tpu.memory_space<hbm>> -> memref<8192xf32, #tpu.memory_space<hbm>>
    tpu.wait_indirect_dma semaphore(%arg13 : memref<!tpu.dma_semaphore, #tpu.memory_space<semaphore_mem>>) src(%dma_wait3A_159 : memref<8192xf32, #tpu.memory_space<hbm>>) dst(%arg10 : memref<16xf32, #tpu.memory_space<vmem>>)
    %mul3A_160 = arith.constant 512 : i32
    %mul3A_161 = vector.broadcast %mul3A_160 : i32 to vector<16xi32>
    %mul3A_162 = arith.muli %iota3A, %mul3A_161 : vector<16xi32>
    %add3A_163 = arith.constant 511 : i32
    %add3A_164 = vector.broadcast %add3A_163 : i32 to vector<16xi32>
    %add3A_165 = arith.addi %mul3A_162, %add3A_164 : vector<16xi32>
    %get3A_166 = arith.constant 0 : index
    %get3A_167 = tpu.vector_load %arg10[%get3A_166] {strides = array<i32>} : memref<16xf32, #tpu.memory_space<vmem>>, vector<16xf32>,
    tpu.vector_store_idx %arg8[%add3A_165], %get3A_167 : memref<8192xf32, #tpu.memory_space<vmem>>[vector<16xi32>], vector<16xf32>,
    %scan3A_168 = arith.constant 0 : i32
    %scan3A_169 = arith.constant 512 : i32
    %scan3A_170 = arith.addi %scan3A_168, %scan3A_169 : i32
    %scan3A_171 = arith.constant 1 : i32
    %scan3A_172:3 = scf.for %scan3A_444 = %scan3A_168 to %scan3A_170 step %scan3A_171 iter_args(%scan3A_445 = %scan3A_122#0, %scan3A_446 = %scan3A_122#1, %scan3A_447 = %scan3A_122#2) -> (vector<16xf32>, vector<16xi32>, vector<16xf32>)  : i32 {
      %mul3A_448 = arith.constant 16 : i32
      %mul3A_449 = arith.muli %scan3A_444, %mul3A_448 : i32
      %add3A_450 = vector.broadcast %mul3A_449 : i32 to vector<16xi32>
      %add3A_451 = arith.addi %add3A_450, %iota3A : vector<16xi32>
      %gather3A_452 = tpu.vector_load_idx %arg8[%add3A_451] : memref<8192xf32, #tpu.memory_space<vmem>>[vector<16xi32>], vector<16xf32>,
      %mul3A_453 = arith.mulf %scan3A_445, %gather3A_452 : vector<16xf32>
      %bitcast3A = vector.bitcast %mul3A_453 : vector<16xf32> to vector<16xi32>
      %shift_right_arithmetic3A = arith.constant 23 : i32
      %shift_right_arithmetic3A_454 = vector.broadcast %shift_right_arithmetic3A : i32 to vector<16xi32>
      %shift_right_arithmetic3A_455 = arith.shrsi %bitcast3A, %shift_right_arithmetic3A_454 : vector<16xi32>
      %add3A_456 = arith.addi %scan3A_446, %shift_right_arithmetic3A_455 : vector<16xi32>
      %and3A = arith.constant 8388607 : i32
      %and3A_457 = vector.broadcast %and3A : i32 to vector<16xi32>
      %and3A_458 = arith.andi %bitcast3A, %and3A_457 : vector<16xi32>
      %or3A = arith.constant 1065353216 : i32
      %or3A_459 = vector.broadcast %or3A : i32 to vector<16xi32>
      %or3A_460 = arith.ori %and3A_458, %or3A_459 : vector<16xi32>
      %bitcast3A_461 = vector.bitcast %or3A_460 : vector<16xi32> to vector<16xf32>
      %min3A = arith.minimumf %scan3A_447, %gather3A_452 : vector<16xf32>
      scf.yield %bitcast3A_461, %add3A_456, %min3A : vector<16xf32>, vector<16xi32>, vector<16xf32>
    }
    %scan3A_173 = arith.constant 512 : i32
    %mul3A_174 = arith.constant 8 : i32
    %mul3A_175 = arith.muli %add3A, %mul3A_174 : i32
    %add3A_176 = arith.constant 4 : i32
    %add3A_177 = arith.addi %mul3A_175, %add3A_176 : i32
    %mul3A_178 = arith.constant 64 : i32
    %mul3A_179 = arith.muli %add3A_177, %mul3A_178 : i32
    "tpu.region"() ({
      %run_scoped3A = tpu.sem_alloc : memref<!tpu.dma_semaphore, #tpu.memory_space<semaphore_mem>>
      %dma_start3A_444 = arith.constant 0 : i32
      %dma_start3A_445 = tpu.memref_slice %arg2[%mul3A_179, %dma_start3A_444] : memref<16384x128xi32, #tpu.memory_space<hbm>> -> memref<64x128xi32, #tpu.memory_space<hbm>>
      %dma_start3A_446 = arith.constant 0 : i32
      %dma_start3A_447 = tpu.memref_slice %arg2[%mul3A_179, %dma_start3A_446] : memref<16384x128xi32, #tpu.memory_space<hbm>> -> memref<64x128xi32, #tpu.memory_space<hbm>>
      tpu.enqueue_dma source(%dma_start3A_447 : memref<64x128xi32, #tpu.memory_space<hbm>>) target(%arg6 : memref<64x128xi32, #tpu.memory_space<vmem>>) target_semaphore(%run_scoped3A : memref<!tpu.dma_semaphore, #tpu.memory_space<semaphore_mem>>)
      %dma_wait3A_448 = arith.constant 0 : i32
      %dma_wait3A_449 = tpu.memref_slice %arg2[%mul3A_179, %dma_wait3A_448] : memref<16384x128xi32, #tpu.memory_space<hbm>> -> memref<64x128xi32, #tpu.memory_space<hbm>>
      %dma_wait3A_450 = arith.constant 0 : i32
      %dma_wait3A_451 = tpu.memref_slice %arg2[%mul3A_179, %dma_wait3A_450] : memref<16384x128xi32, #tpu.memory_space<hbm>> -> memref<64x128xi32, #tpu.memory_space<hbm>>
      tpu.wait_dma2 semaphore(%run_scoped3A : memref<!tpu.dma_semaphore, #tpu.memory_space<semaphore_mem>>) src(%dma_wait3A_451 : memref<64x128xi32, #tpu.memory_space<hbm>>) dst(%arg6 : memref<64x128xi32, #tpu.memory_space<vmem>>)
      tpu.yield
    }) : () -> ()
    %scan3A_180 = arith.constant 0 : i32
    %scan3A_181 = arith.constant 0 : i32
    %scan3A_182 = arith.constant 64 : i32
    %scan3A_183 = arith.addi %scan3A_181, %scan3A_182 : i32
    %scan3A_184 = arith.constant 1 : i32
    scf.for %scan3A_444 = %scan3A_181 to %scan3A_183 step %scan3A_184  : i32 {
      %mul3A_445 = arith.constant 128 : i32
      %mul3A_446 = arith.muli %scan3A_444, %mul3A_445 : i32
      %dma_start3A_447 = tpu.memref_slice %arg8[%mul3A_446] : memref<8192xf32, #tpu.memory_space<vmem>> -> memref<128xf32, #tpu.memory_space<vmem>>
      %dma_start3A_448 = arith.constant 0 : i32
      %dma_start3A_449 = tpu.memref_slice %arg6[%scan3A_444, %dma_start3A_448] : memref<64x128xi32, #tpu.memory_space<vmem>> -> memref<1x128xi32, #tpu.memory_space<vmem>>
      %dma_start3A_450 = tpu.memref_squeeze %dma_start3A_449 : memref<1x128xi32, #tpu.memory_space<vmem>> -> memref<128xi32, #tpu.memory_space<vmem>>
      %dma_start3A_451 = arith.constant 0 : i32
      %dma_start3A_452 = tpu.memref_slice %arg3[%dma_start3A_451] : memref<67108864xf32, #tpu.memory_space<hbm>> -> memref<67108864xf32, #tpu.memory_space<hbm>>
      tpu.enqueue_indirect_dma source(%dma_start3A_452 : memref<67108864xf32, #tpu.memory_space<hbm>>) target(%dma_start3A_447 : memref<128xf32, #tpu.memory_space<vmem>>) offsets(%dma_start3A_450 : memref<128xi32, #tpu.memory_space<vmem>>) semaphore(%arg13 : memref<!tpu.dma_semaphore, #tpu.memory_space<semaphore_mem>>)
    }
    %scan3A_185 = arith.constant 64 : i32
    %mul3A_186 = arith.constant 4 : i32
    %mul3A_187 = vector.broadcast %mul3A_186 : i32 to vector<16xi32>
    %mul3A_188 = arith.muli %iota3A, %mul3A_187 : vector<16xi32>
    %add3A_189 = arith.constant 3 : i32
    %add3A_190 = vector.broadcast %add3A_189 : i32 to vector<16xi32>
    %add3A_191 = arith.addi %mul3A_188, %add3A_190 : vector<16xi32>
    %gather3A_192 = tpu.vector_load_idx %arg6[%add3A_191, %broadcast_in_dim3A_1] : memref<64x128xi32, #tpu.memory_space<vmem>>[vector<16xi32>, vector<16xi32>], vector<16xi32>,
    %dma_start3A_193 = arith.constant 0 : i32
    %dma_start3A_194 = tpu.memref_slice %arg4[%dma_start3A_193] : memref<8192xf32, #tpu.memory_space<hbm>> -> memref<8192xf32, #tpu.memory_space<hbm>>
    tpu.enqueue_indirect_dma source(%dma_start3A_194 : memref<8192xf32, #tpu.memory_space<hbm>>) target(%arg10 : memref<16xf32, #tpu.memory_space<vmem>>) offsets(%gather3A_192 : vector<16xi32>) semaphore(%arg13 : memref<!tpu.dma_semaphore, #tpu.memory_space<semaphore_mem>>)
    %scan3A_195 = arith.constant 0 : i32
    %scan3A_196 = arith.constant 0 : i32
    %scan3A_197 = arith.constant 64 : i32
    %scan3A_198 = arith.addi %scan3A_196, %scan3A_197 : i32
    %scan3A_199 = arith.constant 1 : i32
    scf.for %scan3A_444 = %scan3A_196 to %scan3A_198 step %scan3A_199  : i32 {
      %mul3A_445 = arith.constant 128 : i32
      %mul3A_446 = arith.muli %scan3A_444, %mul3A_445 : i32
      %dma_wait3A_447 = tpu.memref_slice %arg9[%mul3A_446] : memref<8192xf32, #tpu.memory_space<vmem>> -> memref<128xf32, #tpu.memory_space<vmem>>
      %dma_wait3A_448 = arith.constant 0 : i32
      %dma_wait3A_449 = tpu.memref_slice %arg7[%scan3A_444, %dma_wait3A_448] : memref<64x128xi32, #tpu.memory_space<vmem>> -> memref<1x128xi32, #tpu.memory_space<vmem>>
      %dma_wait3A_450 = tpu.memref_squeeze %dma_wait3A_449 : memref<1x128xi32, #tpu.memory_space<vmem>> -> memref<128xi32, #tpu.memory_space<vmem>>
      %dma_wait3A_451 = arith.constant 0 : i32
      %dma_wait3A_452 = tpu.memref_slice %arg3[%dma_wait3A_451] : memref<67108864xf32, #tpu.memory_space<hbm>> -> memref<67108864xf32, #tpu.memory_space<hbm>>
      tpu.wait_indirect_dma semaphore(%arg14 : memref<!tpu.dma_semaphore, #tpu.memory_space<semaphore_mem>>) src(%dma_wait3A_452 : memref<67108864xf32, #tpu.memory_space<hbm>>) dst(%dma_wait3A_447 : memref<128xf32, #tpu.memory_space<vmem>>)
    }
    %scan3A_200 = arith.constant 64 : i32
    %mul3A_201 = arith.constant 4 : i32
    %mul3A_202 = vector.broadcast %mul3A_201 : i32 to vector<16xi32>
    %mul3A_203 = arith.muli %iota3A, %mul3A_202 : vector<16xi32>
    %add3A_204 = arith.constant 3 : i32
    %add3A_205 = vector.broadcast %add3A_204 : i32 to vector<16xi32>
    %add3A_206 = arith.addi %mul3A_203, %add3A_205 : vector<16xi32>
    %gather3A_207 = tpu.vector_load_idx %arg7[%add3A_206, %broadcast_in_dim3A_1] : memref<64x128xi32, #tpu.memory_space<vmem>>[vector<16xi32>, vector<16xi32>], vector<16xi32>,
    %dma_wait3A_208 = arith.constant 0 : i32
    %dma_wait3A_209 = tpu.memref_slice %arg4[%dma_wait3A_208] : memref<8192xf32, #tpu.memory_space<hbm>> -> memref<8192xf32, #tpu.memory_space<hbm>>
    tpu.wait_indirect_dma semaphore(%arg14 : memref<!tpu.dma_semaphore, #tpu.memory_space<semaphore_mem>>) src(%dma_wait3A_209 : memref<8192xf32, #tpu.memory_space<hbm>>) dst(%arg11 : memref<16xf32, #tpu.memory_space<vmem>>)
    %mul3A_210 = arith.constant 512 : i32
    %mul3A_211 = vector.broadcast %mul3A_210 : i32 to vector<16xi32>
    %mul3A_212 = arith.muli %iota3A, %mul3A_211 : vector<16xi32>
    %add3A_213 = arith.constant 511 : i32
    %add3A_214 = vector.broadcast %add3A_213 : i32 to vector<16xi32>
    %add3A_215 = arith.addi %mul3A_212, %add3A_214 : vector<16xi32>
    %get3A_216 = arith.constant 0 : index
    %get3A_217 = tpu.vector_load %arg11[%get3A_216] {strides = array<i32>} : memref<16xf32, #tpu.memory_space<vmem>>, vector<16xf32>,
    tpu.vector_store_idx %arg9[%add3A_215], %get3A_217 : memref<8192xf32, #tpu.memory_space<vmem>>[vector<16xi32>], vector<16xf32>,
    %scan3A_218 = arith.constant 0 : i32
    %scan3A_219 = arith.constant 512 : i32
    %scan3A_220 = arith.addi %scan3A_218, %scan3A_219 : i32
    %scan3A_221 = arith.constant 1 : i32
    %scan3A_222:3 = scf.for %scan3A_444 = %scan3A_218 to %scan3A_220 step %scan3A_221 iter_args(%scan3A_445 = %scan3A_172#0, %scan3A_446 = %scan3A_172#1, %scan3A_447 = %scan3A_172#2) -> (vector<16xf32>, vector<16xi32>, vector<16xf32>)  : i32 {
      %mul3A_448 = arith.constant 16 : i32
      %mul3A_449 = arith.muli %scan3A_444, %mul3A_448 : i32
      %add3A_450 = vector.broadcast %mul3A_449 : i32 to vector<16xi32>
      %add3A_451 = arith.addi %add3A_450, %iota3A : vector<16xi32>
      %gather3A_452 = tpu.vector_load_idx %arg9[%add3A_451] : memref<8192xf32, #tpu.memory_space<vmem>>[vector<16xi32>], vector<16xf32>,
      %mul3A_453 = arith.mulf %scan3A_445, %gather3A_452 : vector<16xf32>
      %bitcast3A = vector.bitcast %mul3A_453 : vector<16xf32> to vector<16xi32>
      %shift_right_arithmetic3A = arith.constant 23 : i32
      %shift_right_arithmetic3A_454 = vector.broadcast %shift_right_arithmetic3A : i32 to vector<16xi32>
      %shift_right_arithmetic3A_455 = arith.shrsi %bitcast3A, %shift_right_arithmetic3A_454 : vector<16xi32>
      %add3A_456 = arith.addi %scan3A_446, %shift_right_arithmetic3A_455 : vector<16xi32>
      %and3A = arith.constant 8388607 : i32
      %and3A_457 = vector.broadcast %and3A : i32 to vector<16xi32>
      %and3A_458 = arith.andi %bitcast3A, %and3A_457 : vector<16xi32>
      %or3A = arith.constant 1065353216 : i32
      %or3A_459 = vector.broadcast %or3A : i32 to vector<16xi32>
      %or3A_460 = arith.ori %and3A_458, %or3A_459 : vector<16xi32>
      %bitcast3A_461 = vector.bitcast %or3A_460 : vector<16xi32> to vector<16xf32>
      %min3A = arith.minimumf %scan3A_447, %gather3A_452 : vector<16xf32>
      scf.yield %bitcast3A_461, %add3A_456, %min3A : vector<16xf32>, vector<16xi32>, vector<16xf32>
    }
    %scan3A_223 = arith.constant 512 : i32
    %mul3A_224 = arith.constant 8 : i32
    %mul3A_225 = arith.muli %add3A, %mul3A_224 : i32
    %add3A_226 = arith.constant 5 : i32
    %add3A_227 = arith.addi %mul3A_225, %add3A_226 : i32
    %mul3A_228 = arith.constant 64 : i32
    %mul3A_229 = arith.muli %add3A_227, %mul3A_228 : i32
    "tpu.region"() ({
      %run_scoped3A = tpu.sem_alloc : memref<!tpu.dma_semaphore, #tpu.memory_space<semaphore_mem>>
      %dma_start3A_444 = arith.constant 0 : i32
      %dma_start3A_445 = tpu.memref_slice %arg2[%mul3A_229, %dma_start3A_444] : memref<16384x128xi32, #tpu.memory_space<hbm>> -> memref<64x128xi32, #tpu.memory_space<hbm>>
      %dma_start3A_446 = arith.constant 0 : i32
      %dma_start3A_447 = tpu.memref_slice %arg2[%mul3A_229, %dma_start3A_446] : memref<16384x128xi32, #tpu.memory_space<hbm>> -> memref<64x128xi32, #tpu.memory_space<hbm>>
      tpu.enqueue_dma source(%dma_start3A_447 : memref<64x128xi32, #tpu.memory_space<hbm>>) target(%arg7 : memref<64x128xi32, #tpu.memory_space<vmem>>) target_semaphore(%run_scoped3A : memref<!tpu.dma_semaphore, #tpu.memory_space<semaphore_mem>>)
      %dma_wait3A_448 = arith.constant 0 : i32
      %dma_wait3A_449 = tpu.memref_slice %arg2[%mul3A_229, %dma_wait3A_448] : memref<16384x128xi32, #tpu.memory_space<hbm>> -> memref<64x128xi32, #tpu.memory_space<hbm>>
      %dma_wait3A_450 = arith.constant 0 : i32
      %dma_wait3A_451 = tpu.memref_slice %arg2[%mul3A_229, %dma_wait3A_450] : memref<16384x128xi32, #tpu.memory_space<hbm>> -> memref<64x128xi32, #tpu.memory_space<hbm>>
      tpu.wait_dma2 semaphore(%run_scoped3A : memref<!tpu.dma_semaphore, #tpu.memory_space<semaphore_mem>>) src(%dma_wait3A_451 : memref<64x128xi32, #tpu.memory_space<hbm>>) dst(%arg7 : memref<64x128xi32, #tpu.memory_space<vmem>>)
      tpu.yield
    }) : () -> ()
    %scan3A_230 = arith.constant 0 : i32
    %scan3A_231 = arith.constant 0 : i32
    %scan3A_232 = arith.constant 64 : i32
    %scan3A_233 = arith.addi %scan3A_231, %scan3A_232 : i32
    %scan3A_234 = arith.constant 1 : i32
    scf.for %scan3A_444 = %scan3A_231 to %scan3A_233 step %scan3A_234  : i32 {
      %mul3A_445 = arith.constant 128 : i32
      %mul3A_446 = arith.muli %scan3A_444, %mul3A_445 : i32
      %dma_start3A_447 = tpu.memref_slice %arg9[%mul3A_446] : memref<8192xf32, #tpu.memory_space<vmem>> -> memref<128xf32, #tpu.memory_space<vmem>>
      %dma_start3A_448 = arith.constant 0 : i32
      %dma_start3A_449 = tpu.memref_slice %arg7[%scan3A_444, %dma_start3A_448] : memref<64x128xi32, #tpu.memory_space<vmem>> -> memref<1x128xi32, #tpu.memory_space<vmem>>
      %dma_start3A_450 = tpu.memref_squeeze %dma_start3A_449 : memref<1x128xi32, #tpu.memory_space<vmem>> -> memref<128xi32, #tpu.memory_space<vmem>>
      %dma_start3A_451 = arith.constant 0 : i32
      %dma_start3A_452 = tpu.memref_slice %arg3[%dma_start3A_451] : memref<67108864xf32, #tpu.memory_space<hbm>> -> memref<67108864xf32, #tpu.memory_space<hbm>>
      tpu.enqueue_indirect_dma source(%dma_start3A_452 : memref<67108864xf32, #tpu.memory_space<hbm>>) target(%dma_start3A_447 : memref<128xf32, #tpu.memory_space<vmem>>) offsets(%dma_start3A_450 : memref<128xi32, #tpu.memory_space<vmem>>) semaphore(%arg14 : memref<!tpu.dma_semaphore, #tpu.memory_space<semaphore_mem>>)
    }
    %scan3A_235 = arith.constant 64 : i32
    %mul3A_236 = arith.constant 4 : i32
    %mul3A_237 = vector.broadcast %mul3A_236 : i32 to vector<16xi32>
    %mul3A_238 = arith.muli %iota3A, %mul3A_237 : vector<16xi32>
    %add3A_239 = arith.constant 3 : i32
    %add3A_240 = vector.broadcast %add3A_239 : i32 to vector<16xi32>
    %add3A_241 = arith.addi %mul3A_238, %add3A_240 : vector<16xi32>
    %gather3A_242 = tpu.vector_load_idx %arg7[%add3A_241, %broadcast_in_dim3A_1] : memref<64x128xi32, #tpu.memory_space<vmem>>[vector<16xi32>, vector<16xi32>], vector<16xi32>,
    %dma_start3A_243 = arith.constant 0 : i32
    %dma_start3A_244 = tpu.memref_slice %arg4[%dma_start3A_243] : memref<8192xf32, #tpu.memory_space<hbm>> -> memref<8192xf32, #tpu.memory_space<hbm>>
    tpu.enqueue_indirect_dma source(%dma_start3A_244 : memref<8192xf32, #tpu.memory_space<hbm>>) target(%arg11 : memref<16xf32, #tpu.memory_space<vmem>>) offsets(%gather3A_242 : vector<16xi32>) semaphore(%arg14 : memref<!tpu.dma_semaphore, #tpu.memory_space<semaphore_mem>>)
    %scan3A_245 = arith.constant 0 : i32
    %scan3A_246 = arith.constant 0 : i32
    %scan3A_247 = arith.constant 64 : i32
    %scan3A_248 = arith.addi %scan3A_246, %scan3A_247 : i32
    %scan3A_249 = arith.constant 1 : i32
    scf.for %scan3A_444 = %scan3A_246 to %scan3A_248 step %scan3A_249  : i32 {
      %mul3A_445 = arith.constant 128 : i32
      %mul3A_446 = arith.muli %scan3A_444, %mul3A_445 : i32
      %dma_wait3A_447 = tpu.memref_slice %arg8[%mul3A_446] : memref<8192xf32, #tpu.memory_space<vmem>> -> memref<128xf32, #tpu.memory_space<vmem>>
      %dma_wait3A_448 = arith.constant 0 : i32
      %dma_wait3A_449 = tpu.memref_slice %arg6[%scan3A_444, %dma_wait3A_448] : memref<64x128xi32, #tpu.memory_space<vmem>> -> memref<1x128xi32, #tpu.memory_space<vmem>>
      %dma_wait3A_450 = tpu.memref_squeeze %dma_wait3A_449 : memref<1x128xi32, #tpu.memory_space<vmem>> -> memref<128xi32, #tpu.memory_space<vmem>>
      %dma_wait3A_451 = arith.constant 0 : i32
      %dma_wait3A_452 = tpu.memref_slice %arg3[%dma_wait3A_451] : memref<67108864xf32, #tpu.memory_space<hbm>> -> memref<67108864xf32, #tpu.memory_space<hbm>>
      tpu.wait_indirect_dma semaphore(%arg13 : memref<!tpu.dma_semaphore, #tpu.memory_space<semaphore_mem>>) src(%dma_wait3A_452 : memref<67108864xf32, #tpu.memory_space<hbm>>) dst(%dma_wait3A_447 : memref<128xf32, #tpu.memory_space<vmem>>)
    }
    %scan3A_250 = arith.constant 64 : i32
    %mul3A_251 = arith.constant 4 : i32
    %mul3A_252 = vector.broadcast %mul3A_251 : i32 to vector<16xi32>
    %mul3A_253 = arith.muli %iota3A, %mul3A_252 : vector<16xi32>
    %add3A_254 = arith.constant 3 : i32
    %add3A_255 = vector.broadcast %add3A_254 : i32 to vector<16xi32>
    %add3A_256 = arith.addi %mul3A_253, %add3A_255 : vector<16xi32>
    %gather3A_257 = tpu.vector_load_idx %arg6[%add3A_256, %broadcast_in_dim3A_1] : memref<64x128xi32, #tpu.memory_space<vmem>>[vector<16xi32>, vector<16xi32>], vector<16xi32>,
    %dma_wait3A_258 = arith.constant 0 : i32
    %dma_wait3A_259 = tpu.memref_slice %arg4[%dma_wait3A_258] : memref<8192xf32, #tpu.memory_space<hbm>> -> memref<8192xf32, #tpu.memory_space<hbm>>
    tpu.wait_indirect_dma semaphore(%arg13 : memref<!tpu.dma_semaphore, #tpu.memory_space<semaphore_mem>>) src(%dma_wait3A_259 : memref<8192xf32, #tpu.memory_space<hbm>>) dst(%arg10 : memref<16xf32, #tpu.memory_space<vmem>>)
    %mul3A_260 = arith.constant 512 : i32
    %mul3A_261 = vector.broadcast %mul3A_260 : i32 to vector<16xi32>
    %mul3A_262 = arith.muli %iota3A, %mul3A_261 : vector<16xi32>
    %add3A_263 = arith.constant 511 : i32
    %add3A_264 = vector.broadcast %add3A_263 : i32 to vector<16xi32>
    %add3A_265 = arith.addi %mul3A_262, %add3A_264 : vector<16xi32>
    %get3A_266 = arith.constant 0 : index
    %get3A_267 = tpu.vector_load %arg10[%get3A_266] {strides = array<i32>} : memref<16xf32, #tpu.memory_space<vmem>>, vector<16xf32>,
    tpu.vector_store_idx %arg8[%add3A_265], %get3A_267 : memref<8192xf32, #tpu.memory_space<vmem>>[vector<16xi32>], vector<16xf32>,
    %scan3A_268 = arith.constant 0 : i32
    %scan3A_269 = arith.constant 512 : i32
    %scan3A_270 = arith.addi %scan3A_268, %scan3A_269 : i32
    %scan3A_271 = arith.constant 1 : i32
    %scan3A_272:3 = scf.for %scan3A_444 = %scan3A_268 to %scan3A_270 step %scan3A_271 iter_args(%scan3A_445 = %scan3A_222#0, %scan3A_446 = %scan3A_222#1, %scan3A_447 = %scan3A_222#2) -> (vector<16xf32>, vector<16xi32>, vector<16xf32>)  : i32 {
      %mul3A_448 = arith.constant 16 : i32
      %mul3A_449 = arith.muli %scan3A_444, %mul3A_448 : i32
      %add3A_450 = vector.broadcast %mul3A_449 : i32 to vector<16xi32>
      %add3A_451 = arith.addi %add3A_450, %iota3A : vector<16xi32>
      %gather3A_452 = tpu.vector_load_idx %arg8[%add3A_451] : memref<8192xf32, #tpu.memory_space<vmem>>[vector<16xi32>], vector<16xf32>,
      %mul3A_453 = arith.mulf %scan3A_445, %gather3A_452 : vector<16xf32>
      %bitcast3A = vector.bitcast %mul3A_453 : vector<16xf32> to vector<16xi32>
      %shift_right_arithmetic3A = arith.constant 23 : i32
      %shift_right_arithmetic3A_454 = vector.broadcast %shift_right_arithmetic3A : i32 to vector<16xi32>
      %shift_right_arithmetic3A_455 = arith.shrsi %bitcast3A, %shift_right_arithmetic3A_454 : vector<16xi32>
      %add3A_456 = arith.addi %scan3A_446, %shift_right_arithmetic3A_455 : vector<16xi32>
      %and3A = arith.constant 8388607 : i32
      %and3A_457 = vector.broadcast %and3A : i32 to vector<16xi32>
      %and3A_458 = arith.andi %bitcast3A, %and3A_457 : vector<16xi32>
      %or3A = arith.constant 1065353216 : i32
      %or3A_459 = vector.broadcast %or3A : i32 to vector<16xi32>
      %or3A_460 = arith.ori %and3A_458, %or3A_459 : vector<16xi32>
      %bitcast3A_461 = vector.bitcast %or3A_460 : vector<16xi32> to vector<16xf32>
      %min3A = arith.minimumf %scan3A_447, %gather3A_452 : vector<16xf32>
      scf.yield %bitcast3A_461, %add3A_456, %min3A : vector<16xf32>, vector<16xi32>, vector<16xf32>
    }
    %scan3A_273 = arith.constant 512 : i32
    %mul3A_274 = arith.constant 8 : i32
    %mul3A_275 = arith.muli %add3A, %mul3A_274 : i32
    %add3A_276 = arith.constant 6 : i32
    %add3A_277 = arith.addi %mul3A_275, %add3A_276 : i32
    %mul3A_278 = arith.constant 64 : i32
    %mul3A_279 = arith.muli %add3A_277, %mul3A_278 : i32
    "tpu.region"() ({
      %run_scoped3A = tpu.sem_alloc : memref<!tpu.dma_semaphore, #tpu.memory_space<semaphore_mem>>
      %dma_start3A_444 = arith.constant 0 : i32
      %dma_start3A_445 = tpu.memref_slice %arg2[%mul3A_279, %dma_start3A_444] : memref<16384x128xi32, #tpu.memory_space<hbm>> -> memref<64x128xi32, #tpu.memory_space<hbm>>
      %dma_start3A_446 = arith.constant 0 : i32
      %dma_start3A_447 = tpu.memref_slice %arg2[%mul3A_279, %dma_start3A_446] : memref<16384x128xi32, #tpu.memory_space<hbm>> -> memref<64x128xi32, #tpu.memory_space<hbm>>
      tpu.enqueue_dma source(%dma_start3A_447 : memref<64x128xi32, #tpu.memory_space<hbm>>) target(%arg6 : memref<64x128xi32, #tpu.memory_space<vmem>>) target_semaphore(%run_scoped3A : memref<!tpu.dma_semaphore, #tpu.memory_space<semaphore_mem>>)
      %dma_wait3A_448 = arith.constant 0 : i32
      %dma_wait3A_449 = tpu.memref_slice %arg2[%mul3A_279, %dma_wait3A_448] : memref<16384x128xi32, #tpu.memory_space<hbm>> -> memref<64x128xi32, #tpu.memory_space<hbm>>
      %dma_wait3A_450 = arith.constant 0 : i32
      %dma_wait3A_451 = tpu.memref_slice %arg2[%mul3A_279, %dma_wait3A_450] : memref<16384x128xi32, #tpu.memory_space<hbm>> -> memref<64x128xi32, #tpu.memory_space<hbm>>
      tpu.wait_dma2 semaphore(%run_scoped3A : memref<!tpu.dma_semaphore, #tpu.memory_space<semaphore_mem>>) src(%dma_wait3A_451 : memref<64x128xi32, #tpu.memory_space<hbm>>) dst(%arg6 : memref<64x128xi32, #tpu.memory_space<vmem>>)
      tpu.yield
    }) : () -> ()
    %scan3A_280 = arith.constant 0 : i32
    %scan3A_281 = arith.constant 0 : i32
    %scan3A_282 = arith.constant 64 : i32
    %scan3A_283 = arith.addi %scan3A_281, %scan3A_282 : i32
    %scan3A_284 = arith.constant 1 : i32
    scf.for %scan3A_444 = %scan3A_281 to %scan3A_283 step %scan3A_284  : i32 {
      %mul3A_445 = arith.constant 128 : i32
      %mul3A_446 = arith.muli %scan3A_444, %mul3A_445 : i32
      %dma_start3A_447 = tpu.memref_slice %arg8[%mul3A_446] : memref<8192xf32, #tpu.memory_space<vmem>> -> memref<128xf32, #tpu.memory_space<vmem>>
      %dma_start3A_448 = arith.constant 0 : i32
      %dma_start3A_449 = tpu.memref_slice %arg6[%scan3A_444, %dma_start3A_448] : memref<64x128xi32, #tpu.memory_space<vmem>> -> memref<1x128xi32, #tpu.memory_space<vmem>>
      %dma_start3A_450 = tpu.memref_squeeze %dma_start3A_449 : memref<1x128xi32, #tpu.memory_space<vmem>> -> memref<128xi32, #tpu.memory_space<vmem>>
      %dma_start3A_451 = arith.constant 0 : i32
      %dma_start3A_452 = tpu.memref_slice %arg3[%dma_start3A_451] : memref<67108864xf32, #tpu.memory_space<hbm>> -> memref<67108864xf32, #tpu.memory_space<hbm>>
      tpu.enqueue_indirect_dma source(%dma_start3A_452 : memref<67108864xf32, #tpu.memory_space<hbm>>) target(%dma_start3A_447 : memref<128xf32, #tpu.memory_space<vmem>>) offsets(%dma_start3A_450 : memref<128xi32, #tpu.memory_space<vmem>>) semaphore(%arg13 : memref<!tpu.dma_semaphore, #tpu.memory_space<semaphore_mem>>)
    }
    %scan3A_285 = arith.constant 64 : i32
    %mul3A_286 = arith.constant 4 : i32
    %mul3A_287 = vector.broadcast %mul3A_286 : i32 to vector<16xi32>
    %mul3A_288 = arith.muli %iota3A, %mul3A_287 : vector<16xi32>
    %add3A_289 = arith.constant 3 : i32
    %add3A_290 = vector.broadcast %add3A_289 : i32 to vector<16xi32>
    %add3A_291 = arith.addi %mul3A_288, %add3A_290 : vector<16xi32>
    %gather3A_292 = tpu.vector_load_idx %arg6[%add3A_291, %broadcast_in_dim3A_1] : memref<64x128xi32, #tpu.memory_space<vmem>>[vector<16xi32>, vector<16xi32>], vector<16xi32>,
    %dma_start3A_293 = arith.constant 0 : i32
    %dma_start3A_294 = tpu.memref_slice %arg4[%dma_start3A_293] : memref<8192xf32, #tpu.memory_space<hbm>> -> memref<8192xf32, #tpu.memory_space<hbm>>
    tpu.enqueue_indirect_dma source(%dma_start3A_294 : memref<8192xf32, #tpu.memory_space<hbm>>) target(%arg10 : memref<16xf32, #tpu.memory_space<vmem>>) offsets(%gather3A_292 : vector<16xi32>) semaphore(%arg13 : memref<!tpu.dma_semaphore, #tpu.memory_space<semaphore_mem>>)
    %scan3A_295 = arith.constant 0 : i32
    %scan3A_296 = arith.constant 0 : i32
    %scan3A_297 = arith.constant 64 : i32
    %scan3A_298 = arith.addi %scan3A_296, %scan3A_297 : i32
    %scan3A_299 = arith.constant 1 : i32
    scf.for %scan3A_444 = %scan3A_296 to %scan3A_298 step %scan3A_299  : i32 {
      %mul3A_445 = arith.constant 128 : i32
      %mul3A_446 = arith.muli %scan3A_444, %mul3A_445 : i32
      %dma_wait3A_447 = tpu.memref_slice %arg9[%mul3A_446] : memref<8192xf32, #tpu.memory_space<vmem>> -> memref<128xf32, #tpu.memory_space<vmem>>
      %dma_wait3A_448 = arith.constant 0 : i32
      %dma_wait3A_449 = tpu.memref_slice %arg7[%scan3A_444, %dma_wait3A_448] : memref<64x128xi32, #tpu.memory_space<vmem>> -> memref<1x128xi32, #tpu.memory_space<vmem>>
      %dma_wait3A_450 = tpu.memref_squeeze %dma_wait3A_449 : memref<1x128xi32, #tpu.memory_space<vmem>> -> memref<128xi32, #tpu.memory_space<vmem>>
      %dma_wait3A_451 = arith.constant 0 : i32
      %dma_wait3A_452 = tpu.memref_slice %arg3[%dma_wait3A_451] : memref<67108864xf32, #tpu.memory_space<hbm>> -> memref<67108864xf32, #tpu.memory_space<hbm>>
      tpu.wait_indirect_dma semaphore(%arg14 : memref<!tpu.dma_semaphore, #tpu.memory_space<semaphore_mem>>) src(%dma_wait3A_452 : memref<67108864xf32, #tpu.memory_space<hbm>>) dst(%dma_wait3A_447 : memref<128xf32, #tpu.memory_space<vmem>>)
    }
    %scan3A_300 = arith.constant 64 : i32
    %mul3A_301 = arith.constant 4 : i32
    %mul3A_302 = vector.broadcast %mul3A_301 : i32 to vector<16xi32>
    %mul3A_303 = arith.muli %iota3A, %mul3A_302 : vector<16xi32>
    %add3A_304 = arith.constant 3 : i32
    %add3A_305 = vector.broadcast %add3A_304 : i32 to vector<16xi32>
    %add3A_306 = arith.addi %mul3A_303, %add3A_305 : vector<16xi32>
    %gather3A_307 = tpu.vector_load_idx %arg7[%add3A_306, %broadcast_in_dim3A_1] : memref<64x128xi32, #tpu.memory_space<vmem>>[vector<16xi32>, vector<16xi32>], vector<16xi32>,
    %dma_wait3A_308 = arith.constant 0 : i32
    %dma_wait3A_309 = tpu.memref_slice %arg4[%dma_wait3A_308] : memref<8192xf32, #tpu.memory_space<hbm>> -> memref<8192xf32, #tpu.memory_space<hbm>>
    tpu.wait_indirect_dma semaphore(%arg14 : memref<!tpu.dma_semaphore, #tpu.memory_space<semaphore_mem>>) src(%dma_wait3A_309 : memref<8192xf32, #tpu.memory_space<hbm>>) dst(%arg11 : memref<16xf32, #tpu.memory_space<vmem>>)
    %mul3A_310 = arith.constant 512 : i32
    %mul3A_311 = vector.broadcast %mul3A_310 : i32 to vector<16xi32>
    %mul3A_312 = arith.muli %iota3A, %mul3A_311 : vector<16xi32>
    %add3A_313 = arith.constant 511 : i32
    %add3A_314 = vector.broadcast %add3A_313 : i32 to vector<16xi32>
    %add3A_315 = arith.addi %mul3A_312, %add3A_314 : vector<16xi32>
    %get3A_316 = arith.constant 0 : index
    %get3A_317 = tpu.vector_load %arg11[%get3A_316] {strides = array<i32>} : memref<16xf32, #tpu.memory_space<vmem>>, vector<16xf32>,
    tpu.vector_store_idx %arg9[%add3A_315], %get3A_317 : memref<8192xf32, #tpu.memory_space<vmem>>[vector<16xi32>], vector<16xf32>,
    %scan3A_318 = arith.constant 0 : i32
    %scan3A_319 = arith.constant 512 : i32
    %scan3A_320 = arith.addi %scan3A_318, %scan3A_319 : i32
    %scan3A_321 = arith.constant 1 : i32
    %scan3A_322:3 = scf.for %scan3A_444 = %scan3A_318 to %scan3A_320 step %scan3A_321 iter_args(%scan3A_445 = %scan3A_272#0, %scan3A_446 = %scan3A_272#1, %scan3A_447 = %scan3A_272#2) -> (vector<16xf32>, vector<16xi32>, vector<16xf32>)  : i32 {
      %mul3A_448 = arith.constant 16 : i32
      %mul3A_449 = arith.muli %scan3A_444, %mul3A_448 : i32
      %add3A_450 = vector.broadcast %mul3A_449 : i32 to vector<16xi32>
      %add3A_451 = arith.addi %add3A_450, %iota3A : vector<16xi32>
      %gather3A_452 = tpu.vector_load_idx %arg9[%add3A_451] : memref<8192xf32, #tpu.memory_space<vmem>>[vector<16xi32>], vector<16xf32>,
      %mul3A_453 = arith.mulf %scan3A_445, %gather3A_452 : vector<16xf32>
      %bitcast3A = vector.bitcast %mul3A_453 : vector<16xf32> to vector<16xi32>
      %shift_right_arithmetic3A = arith.constant 23 : i32
      %shift_right_arithmetic3A_454 = vector.broadcast %shift_right_arithmetic3A : i32 to vector<16xi32>
      %shift_right_arithmetic3A_455 = arith.shrsi %bitcast3A, %shift_right_arithmetic3A_454 : vector<16xi32>
      %add3A_456 = arith.addi %scan3A_446, %shift_right_arithmetic3A_455 : vector<16xi32>
      %and3A = arith.constant 8388607 : i32
      %and3A_457 = vector.broadcast %and3A : i32 to vector<16xi32>
      %and3A_458 = arith.andi %bitcast3A, %and3A_457 : vector<16xi32>
      %or3A = arith.constant 1065353216 : i32
      %or3A_459 = vector.broadcast %or3A : i32 to vector<16xi32>
      %or3A_460 = arith.ori %and3A_458, %or3A_459 : vector<16xi32>
      %bitcast3A_461 = vector.bitcast %or3A_460 : vector<16xi32> to vector<16xf32>
      %min3A = arith.minimumf %scan3A_447, %gather3A_452 : vector<16xf32>
      scf.yield %bitcast3A_461, %add3A_456, %min3A : vector<16xf32>, vector<16xi32>, vector<16xf32>
    }
    %scan3A_323 = arith.constant 512 : i32
    %mul3A_324 = arith.constant 8 : i32
    %mul3A_325 = arith.muli %add3A, %mul3A_324 : i32
    %add3A_326 = arith.constant 7 : i32
    %add3A_327 = arith.addi %mul3A_325, %add3A_326 : i32
    %mul3A_328 = arith.constant 64 : i32
    %mul3A_329 = arith.muli %add3A_327, %mul3A_328 : i32
    "tpu.region"() ({
      %run_scoped3A = tpu.sem_alloc : memref<!tpu.dma_semaphore, #tpu.memory_space<semaphore_mem>>
      %dma_start3A_444 = arith.constant 0 : i32
      %dma_start3A_445 = tpu.memref_slice %arg2[%mul3A_329, %dma_start3A_444] : memref<16384x128xi32, #tpu.memory_space<hbm>> -> memref<64x128xi32, #tpu.memory_space<hbm>>
      %dma_start3A_446 = arith.constant 0 : i32
      %dma_start3A_447 = tpu.memref_slice %arg2[%mul3A_329, %dma_start3A_446] : memref<16384x128xi32, #tpu.memory_space<hbm>> -> memref<64x128xi32, #tpu.memory_space<hbm>>
      tpu.enqueue_dma source(%dma_start3A_447 : memref<64x128xi32, #tpu.memory_space<hbm>>) target(%arg7 : memref<64x128xi32, #tpu.memory_space<vmem>>) target_semaphore(%run_scoped3A : memref<!tpu.dma_semaphore, #tpu.memory_space<semaphore_mem>>)
      %dma_wait3A_448 = arith.constant 0 : i32
      %dma_wait3A_449 = tpu.memref_slice %arg2[%mul3A_329, %dma_wait3A_448] : memref<16384x128xi32, #tpu.memory_space<hbm>> -> memref<64x128xi32, #tpu.memory_space<hbm>>
      %dma_wait3A_450 = arith.constant 0 : i32
      %dma_wait3A_451 = tpu.memref_slice %arg2[%mul3A_329, %dma_wait3A_450] : memref<16384x128xi32, #tpu.memory_space<hbm>> -> memref<64x128xi32, #tpu.memory_space<hbm>>
      tpu.wait_dma2 semaphore(%run_scoped3A : memref<!tpu.dma_semaphore, #tpu.memory_space<semaphore_mem>>) src(%dma_wait3A_451 : memref<64x128xi32, #tpu.memory_space<hbm>>) dst(%arg7 : memref<64x128xi32, #tpu.memory_space<vmem>>)
      tpu.yield
    }) : () -> ()
    %scan3A_330 = arith.constant 0 : i32
    %scan3A_331 = arith.constant 0 : i32
    %scan3A_332 = arith.constant 64 : i32
    %scan3A_333 = arith.addi %scan3A_331, %scan3A_332 : i32
    %scan3A_334 = arith.constant 1 : i32
    scf.for %scan3A_444 = %scan3A_331 to %scan3A_333 step %scan3A_334  : i32 {
      %mul3A_445 = arith.constant 128 : i32
      %mul3A_446 = arith.muli %scan3A_444, %mul3A_445 : i32
      %dma_start3A_447 = tpu.memref_slice %arg9[%mul3A_446] : memref<8192xf32, #tpu.memory_space<vmem>> -> memref<128xf32, #tpu.memory_space<vmem>>
      %dma_start3A_448 = arith.constant 0 : i32
      %dma_start3A_449 = tpu.memref_slice %arg7[%scan3A_444, %dma_start3A_448] : memref<64x128xi32, #tpu.memory_space<vmem>> -> memref<1x128xi32, #tpu.memory_space<vmem>>
      %dma_start3A_450 = tpu.memref_squeeze %dma_start3A_449 : memref<1x128xi32, #tpu.memory_space<vmem>> -> memref<128xi32, #tpu.memory_space<vmem>>
      %dma_start3A_451 = arith.constant 0 : i32
      %dma_start3A_452 = tpu.memref_slice %arg3[%dma_start3A_451] : memref<67108864xf32, #tpu.memory_space<hbm>> -> memref<67108864xf32, #tpu.memory_space<hbm>>
      tpu.enqueue_indirect_dma source(%dma_start3A_452 : memref<67108864xf32, #tpu.memory_space<hbm>>) target(%dma_start3A_447 : memref<128xf32, #tpu.memory_space<vmem>>) offsets(%dma_start3A_450 : memref<128xi32, #tpu.memory_space<vmem>>) semaphore(%arg14 : memref<!tpu.dma_semaphore, #tpu.memory_space<semaphore_mem>>)
    }
    %scan3A_335 = arith.constant 64 : i32
    %mul3A_336 = arith.constant 4 : i32
    %mul3A_337 = vector.broadcast %mul3A_336 : i32 to vector<16xi32>
    %mul3A_338 = arith.muli %iota3A, %mul3A_337 : vector<16xi32>
    %add3A_339 = arith.constant 3 : i32
    %add3A_340 = vector.broadcast %add3A_339 : i32 to vector<16xi32>
    %add3A_341 = arith.addi %mul3A_338, %add3A_340 : vector<16xi32>
    %gather3A_342 = tpu.vector_load_idx %arg7[%add3A_341, %broadcast_in_dim3A_1] : memref<64x128xi32, #tpu.memory_space<vmem>>[vector<16xi32>, vector<16xi32>], vector<16xi32>,
    %dma_start3A_343 = arith.constant 0 : i32
    %dma_start3A_344 = tpu.memref_slice %arg4[%dma_start3A_343] : memref<8192xf32, #tpu.memory_space<hbm>> -> memref<8192xf32, #tpu.memory_space<hbm>>
    tpu.enqueue_indirect_dma source(%dma_start3A_344 : memref<8192xf32, #tpu.memory_space<hbm>>) target(%arg11 : memref<16xf32, #tpu.memory_space<vmem>>) offsets(%gather3A_342 : vector<16xi32>) semaphore(%arg14 : memref<!tpu.dma_semaphore, #tpu.memory_space<semaphore_mem>>)
    %scan3A_345 = arith.constant 0 : i32
    %scan3A_346 = arith.constant 0 : i32
    %scan3A_347 = arith.constant 64 : i32
    %scan3A_348 = arith.addi %scan3A_346, %scan3A_347 : i32
    %scan3A_349 = arith.constant 1 : i32
    scf.for %scan3A_444 = %scan3A_346 to %scan3A_348 step %scan3A_349  : i32 {
      %mul3A_445 = arith.constant 128 : i32
      %mul3A_446 = arith.muli %scan3A_444, %mul3A_445 : i32
      %dma_wait3A_447 = tpu.memref_slice %arg8[%mul3A_446] : memref<8192xf32, #tpu.memory_space<vmem>> -> memref<128xf32, #tpu.memory_space<vmem>>
      %dma_wait3A_448 = arith.constant 0 : i32
      %dma_wait3A_449 = tpu.memref_slice %arg6[%scan3A_444, %dma_wait3A_448] : memref<64x128xi32, #tpu.memory_space<vmem>> -> memref<1x128xi32, #tpu.memory_space<vmem>>
      %dma_wait3A_450 = tpu.memref_squeeze %dma_wait3A_449 : memref<1x128xi32, #tpu.memory_space<vmem>> -> memref<128xi32, #tpu.memory_space<vmem>>
      %dma_wait3A_451 = arith.constant 0 : i32
      %dma_wait3A_452 = tpu.memref_slice %arg3[%dma_wait3A_451] : memref<67108864xf32, #tpu.memory_space<hbm>> -> memref<67108864xf32, #tpu.memory_space<hbm>>
      tpu.wait_indirect_dma semaphore(%arg13 : memref<!tpu.dma_semaphore, #tpu.memory_space<semaphore_mem>>) src(%dma_wait3A_452 : memref<67108864xf32, #tpu.memory_space<hbm>>) dst(%dma_wait3A_447 : memref<128xf32, #tpu.memory_space<vmem>>)
    }
    %scan3A_350 = arith.constant 64 : i32
    %mul3A_351 = arith.constant 4 : i32
    %mul3A_352 = vector.broadcast %mul3A_351 : i32 to vector<16xi32>
    %mul3A_353 = arith.muli %iota3A, %mul3A_352 : vector<16xi32>
    %add3A_354 = arith.constant 3 : i32
    %add3A_355 = vector.broadcast %add3A_354 : i32 to vector<16xi32>
    %add3A_356 = arith.addi %mul3A_353, %add3A_355 : vector<16xi32>
    %gather3A_357 = tpu.vector_load_idx %arg6[%add3A_356, %broadcast_in_dim3A_1] : memref<64x128xi32, #tpu.memory_space<vmem>>[vector<16xi32>, vector<16xi32>], vector<16xi32>,
    %dma_wait3A_358 = arith.constant 0 : i32
    %dma_wait3A_359 = tpu.memref_slice %arg4[%dma_wait3A_358] : memref<8192xf32, #tpu.memory_space<hbm>> -> memref<8192xf32, #tpu.memory_space<hbm>>
    tpu.wait_indirect_dma semaphore(%arg13 : memref<!tpu.dma_semaphore, #tpu.memory_space<semaphore_mem>>) src(%dma_wait3A_359 : memref<8192xf32, #tpu.memory_space<hbm>>) dst(%arg10 : memref<16xf32, #tpu.memory_space<vmem>>)
    %mul3A_360 = arith.constant 512 : i32
    %mul3A_361 = vector.broadcast %mul3A_360 : i32 to vector<16xi32>
    %mul3A_362 = arith.muli %iota3A, %mul3A_361 : vector<16xi32>
    %add3A_363 = arith.constant 511 : i32
    %add3A_364 = vector.broadcast %add3A_363 : i32 to vector<16xi32>
    %add3A_365 = arith.addi %mul3A_362, %add3A_364 : vector<16xi32>
    %get3A_366 = arith.constant 0 : index
    %get3A_367 = tpu.vector_load %arg10[%get3A_366] {strides = array<i32>} : memref<16xf32, #tpu.memory_space<vmem>>, vector<16xf32>,
    tpu.vector_store_idx %arg8[%add3A_365], %get3A_367 : memref<8192xf32, #tpu.memory_space<vmem>>[vector<16xi32>], vector<16xf32>,
    %scan3A_368 = arith.constant 0 : i32
    %scan3A_369 = arith.constant 512 : i32
    %scan3A_370 = arith.addi %scan3A_368, %scan3A_369 : i32
    %scan3A_371 = arith.constant 1 : i32
    %scan3A_372:3 = scf.for %scan3A_444 = %scan3A_368 to %scan3A_370 step %scan3A_371 iter_args(%scan3A_445 = %scan3A_322#0, %scan3A_446 = %scan3A_322#1, %scan3A_447 = %scan3A_322#2) -> (vector<16xf32>, vector<16xi32>, vector<16xf32>)  : i32 {
      %mul3A_448 = arith.constant 16 : i32
      %mul3A_449 = arith.muli %scan3A_444, %mul3A_448 : i32
      %add3A_450 = vector.broadcast %mul3A_449 : i32 to vector<16xi32>
      %add3A_451 = arith.addi %add3A_450, %iota3A : vector<16xi32>
      %gather3A_452 = tpu.vector_load_idx %arg8[%add3A_451] : memref<8192xf32, #tpu.memory_space<vmem>>[vector<16xi32>], vector<16xf32>,
      %mul3A_453 = arith.mulf %scan3A_445, %gather3A_452 : vector<16xf32>
      %bitcast3A = vector.bitcast %mul3A_453 : vector<16xf32> to vector<16xi32>
      %shift_right_arithmetic3A = arith.constant 23 : i32
      %shift_right_arithmetic3A_454 = vector.broadcast %shift_right_arithmetic3A : i32 to vector<16xi32>
      %shift_right_arithmetic3A_455 = arith.shrsi %bitcast3A, %shift_right_arithmetic3A_454 : vector<16xi32>
      %add3A_456 = arith.addi %scan3A_446, %shift_right_arithmetic3A_455 : vector<16xi32>
      %and3A = arith.constant 8388607 : i32
      %and3A_457 = vector.broadcast %and3A : i32 to vector<16xi32>
      %and3A_458 = arith.andi %bitcast3A, %and3A_457 : vector<16xi32>
      %or3A = arith.constant 1065353216 : i32
      %or3A_459 = vector.broadcast %or3A : i32 to vector<16xi32>
      %or3A_460 = arith.ori %and3A_458, %or3A_459 : vector<16xi32>
      %bitcast3A_461 = vector.bitcast %or3A_460 : vector<16xi32> to vector<16xf32>
      %min3A = arith.minimumf %scan3A_447, %gather3A_452 : vector<16xf32>
      scf.yield %bitcast3A_461, %add3A_456, %min3A : vector<16xf32>, vector<16xi32>, vector<16xf32>
    }
    %scan3A_373 = arith.constant 512 : i32
    %scan3A_374 = arith.constant 0 : i32
    %scan3A_375 = arith.constant 0 : i32
    %scan3A_376 = arith.constant 64 : i32
    %scan3A_377 = arith.addi %scan3A_375, %scan3A_376 : i32
    %scan3A_378 = arith.constant 1 : i32
    scf.for %scan3A_444 = %scan3A_375 to %scan3A_377 step %scan3A_378  : i32 {
      %mul3A_445 = arith.constant 128 : i32
      %mul3A_446 = arith.muli %scan3A_444, %mul3A_445 : i32
      %dma_wait3A_447 = tpu.memref_slice %arg9[%mul3A_446] : memref<8192xf32, #tpu.memory_space<vmem>> -> memref<128xf32, #tpu.memory_space<vmem>>
      %dma_wait3A_448 = arith.constant 0 : i32
      %dma_wait3A_449 = tpu.memref_slice %arg7[%scan3A_444, %dma_wait3A_448] : memref<64x128xi32, #tpu.memory_space<vmem>> -> memref<1x128xi32, #tpu.memory_space<vmem>>
      %dma_wait3A_450 = tpu.memref_squeeze %dma_wait3A_449 : memref<1x128xi32, #tpu.memory_space<vmem>> -> memref<128xi32, #tpu.memory_space<vmem>>
      %dma_wait3A_451 = arith.constant 0 : i32
      %dma_wait3A_452 = tpu.memref_slice %arg3[%dma_wait3A_451] : memref<67108864xf32, #tpu.memory_space<hbm>> -> memref<67108864xf32, #tpu.memory_space<hbm>>
      tpu.wait_indirect_dma semaphore(%arg14 : memref<!tpu.dma_semaphore, #tpu.memory_space<semaphore_mem>>) src(%dma_wait3A_452 : memref<67108864xf32, #tpu.memory_space<hbm>>) dst(%dma_wait3A_447 : memref<128xf32, #tpu.memory_space<vmem>>)
    }
    %scan3A_379 = arith.constant 64 : i32
    %mul3A_380 = arith.constant 4 : i32
    %mul3A_381 = vector.broadcast %mul3A_380 : i32 to vector<16xi32>
    %mul3A_382 = arith.muli %iota3A, %mul3A_381 : vector<16xi32>
    %add3A_383 = arith.constant 3 : i32
    %add3A_384 = vector.broadcast %add3A_383 : i32 to vector<16xi32>
    %add3A_385 = arith.addi %mul3A_382, %add3A_384 : vector<16xi32>
    %gather3A_386 = tpu.vector_load_idx %arg7[%add3A_385, %broadcast_in_dim3A_1] : memref<64x128xi32, #tpu.memory_space<vmem>>[vector<16xi32>, vector<16xi32>], vector<16xi32>,
    %dma_wait3A_387 = arith.constant 0 : i32
    %dma_wait3A_388 = tpu.memref_slice %arg4[%dma_wait3A_387] : memref<8192xf32, #tpu.memory_space<hbm>> -> memref<8192xf32, #tpu.memory_space<hbm>>
    tpu.wait_indirect_dma semaphore(%arg14 : memref<!tpu.dma_semaphore, #tpu.memory_space<semaphore_mem>>) src(%dma_wait3A_388 : memref<8192xf32, #tpu.memory_space<hbm>>) dst(%arg11 : memref<16xf32, #tpu.memory_space<vmem>>)
    %mul3A_389 = arith.constant 512 : i32
    %mul3A_390 = vector.broadcast %mul3A_389 : i32 to vector<16xi32>
    %mul3A_391 = arith.muli %iota3A, %mul3A_390 : vector<16xi32>
    %add3A_392 = arith.constant 511 : i32
    %add3A_393 = vector.broadcast %add3A_392 : i32 to vector<16xi32>
    %add3A_394 = arith.addi %mul3A_391, %add3A_393 : vector<16xi32>
    %get3A_395 = arith.constant 0 : index
    %get3A_396 = tpu.vector_load %arg11[%get3A_395] {strides = array<i32>} : memref<16xf32, #tpu.memory_space<vmem>>, vector<16xf32>,
    tpu.vector_store_idx %arg9[%add3A_394], %get3A_396 : memref<8192xf32, #tpu.memory_space<vmem>>[vector<16xi32>], vector<16xf32>,
    %scan3A_397 = arith.constant 0 : i32
    %scan3A_398 = arith.constant 512 : i32
    %scan3A_399 = arith.addi %scan3A_397, %scan3A_398 : i32
    %scan3A_400 = arith.constant 1 : i32
    %scan3A_401:3 = scf.for %scan3A_444 = %scan3A_397 to %scan3A_399 step %scan3A_400 iter_args(%scan3A_445 = %scan3A_372#0, %scan3A_446 = %scan3A_372#1, %scan3A_447 = %scan3A_372#2) -> (vector<16xf32>, vector<16xi32>, vector<16xf32>)  : i32 {
      %mul3A_448 = arith.constant 16 : i32
      %mul3A_449 = arith.muli %scan3A_444, %mul3A_448 : i32
      %add3A_450 = vector.broadcast %mul3A_449 : i32 to vector<16xi32>
      %add3A_451 = arith.addi %add3A_450, %iota3A : vector<16xi32>
      %gather3A_452 = tpu.vector_load_idx %arg9[%add3A_451] : memref<8192xf32, #tpu.memory_space<vmem>>[vector<16xi32>], vector<16xf32>,
      %mul3A_453 = arith.mulf %scan3A_445, %gather3A_452 : vector<16xf32>
      %bitcast3A = vector.bitcast %mul3A_453 : vector<16xf32> to vector<16xi32>
      %shift_right_arithmetic3A = arith.constant 23 : i32
      %shift_right_arithmetic3A_454 = vector.broadcast %shift_right_arithmetic3A : i32 to vector<16xi32>
      %shift_right_arithmetic3A_455 = arith.shrsi %bitcast3A, %shift_right_arithmetic3A_454 : vector<16xi32>
      %add3A_456 = arith.addi %scan3A_446, %shift_right_arithmetic3A_455 : vector<16xi32>
      %and3A = arith.constant 8388607 : i32
      %and3A_457 = vector.broadcast %and3A : i32 to vector<16xi32>
      %and3A_458 = arith.andi %bitcast3A, %and3A_457 : vector<16xi32>
      %or3A = arith.constant 1065353216 : i32
      %or3A_459 = vector.broadcast %or3A : i32 to vector<16xi32>
      %or3A_460 = arith.ori %and3A_458, %or3A_459 : vector<16xi32>
      %bitcast3A_461 = vector.bitcast %or3A_460 : vector<16xi32> to vector<16xf32>
      %min3A = arith.minimumf %scan3A_447, %gather3A_452 : vector<16xf32>
      scf.yield %bitcast3A_461, %add3A_456, %min3A : vector<16xf32>, vector<16xi32>, vector<16xf32>
    }
    %scan3A_402 = arith.constant 512 : i32
    %sub3A = arith.constant 520192 : i32
    %sub3A_403 = vector.broadcast %sub3A : i32 to vector<16xi32>
    %sub3A_404 = arith.subi %scan3A_401#1, %sub3A_403 : vector<16xi32>
    %convert_element_type3A = arith.sitofp %sub3A_404 : vector<16xi32> to vector<16xf32>
    %mul3A_405 = arith.constant 0.693147182 : f32
    %mul3A_406 = vector.broadcast %mul3A_405 : f32 to vector<16xf32>
    %mul3A_407 = arith.mulf %convert_element_type3A, %mul3A_406 : vector<16xf32>
    %sub3A_408 = arith.constant 1.000000e+00 : f32
    %sub3A_409 = vector.broadcast %sub3A_408 : f32 to vector<16xf32>
    %sub3A_410 = arith.subf %scan3A_401#0, %sub3A_409 : vector<16xf32>
    %add3A_411 = arith.constant 1.000000e+00 : f32
    %add3A_412 = vector.broadcast %add3A_411 : f32 to vector<16xf32>
    %add3A_413 = arith.addf %scan3A_401#0, %add3A_412 : vector<16xf32>
    %div3A = arith.divf %sub3A_410, %add3A_413 : vector<16xf32>
    %mul3A_414 = arith.mulf %div3A, %div3A : vector<16xf32>
    %mul3A_415 = arith.constant 0.111111112 : f32
    %mul3A_416 = vector.broadcast %mul3A_415 : f32 to vector<16xf32>
    %mul3A_417 = arith.mulf %mul3A_416, %mul3A_414 : vector<16xf32>
    %add3A_418 = arith.constant 0.142857149 : f32
    %add3A_419 = vector.broadcast %add3A_418 : f32 to vector<16xf32>
    %add3A_420 = arith.addf %mul3A_417, %add3A_419 : vector<16xf32>
    %mul3A_421 = arith.mulf %add3A_420, %mul3A_414 : vector<16xf32>
    %add3A_422 = arith.constant 2.000000e-01 : f32
    %add3A_423 = vector.broadcast %add3A_422 : f32 to vector<16xf32>
    %add3A_424 = arith.addf %mul3A_421, %add3A_423 : vector<16xf32>
    %mul3A_425 = arith.mulf %add3A_424, %mul3A_414 : vector<16xf32>
    %add3A_426 = arith.constant 0.333333343 : f32
    %add3A_427 = vector.broadcast %add3A_426 : f32 to vector<16xf32>
    %add3A_428 = arith.addf %mul3A_425, %add3A_427 : vector<16xf32>
    %mul3A_429 = arith.mulf %add3A_428, %mul3A_414 : vector<16xf32>
    %add3A_430 = arith.constant 1.000000e+00 : f32
    %add3A_431 = vector.broadcast %add3A_430 : f32 to vector<16xf32>
    %add3A_432 = arith.addf %mul3A_429, %add3A_431 : vector<16xf32>
    %mul3A_433 = arith.constant 2.000000e+00 : f32
    %mul3A_434 = vector.broadcast %mul3A_433 : f32 to vector<16xf32>
    %mul3A_435 = arith.mulf %mul3A_434, %div3A : vector<16xf32>
    %mul3A_436 = arith.mulf %mul3A_435, %add3A_432 : vector<16xf32>
    %add3A_437 = arith.addf %mul3A_407, %mul3A_436 : vector<16xf32>
    %eq3A = arith.constant 0.000000e+00 : f32
    %eq3A_438 = vector.broadcast %eq3A : f32 to vector<16xf32>
    %eq3A_439 = arith.cmpf oeq, %scan3A_401#2, %eq3A_438 : vector<16xf32>
    %jit3A = arith.constant 0xFF800000 : f32
    %broadcast_in_dim3A_440 = vector.broadcast %jit3A : f32 to vector<16xf32>
    %select_n3A = arith.select %eq3A_439, %broadcast_in_dim3A_440, %add3A_437 : vector<16xi1>, vector<16xf32>
    %swap3A = arith.constant 0 : index
    %swap3A_441 = tpu.vector_load %arg12[%swap3A] {strides = array<i32>} : memref<16xf32, #tpu.memory_space<vmem>>, vector<16xf32>,
    tpu.vector_store %arg12[%swap3A], %select_n3A {strides = array<i32>} : memref<16xf32, #tpu.memory_space<vmem>>, vector<16xf32>,
    %mul3A_442 = arith.constant 16 : i32
    %mul3A_443 = arith.muli %add3A, %mul3A_442 : i32
    "tpu.region"() ({
      %run_scoped3A = tpu.sem_alloc : memref<!tpu.dma_semaphore, #tpu.memory_space<semaphore_mem>>
      %dma_start3A_444 = tpu.memref_slice %arg5[%mul3A_443] : memref<512xf32, #tpu.memory_space<hbm>> -> memref<16xf32, #tpu.memory_space<hbm>>
      %dma_start3A_445 = tpu.memref_slice %arg5[%mul3A_443] : memref<512xf32, #tpu.memory_space<hbm>> -> memref<16xf32, #tpu.memory_space<hbm>>
      tpu.enqueue_dma source(%arg12 : memref<16xf32, #tpu.memory_space<vmem>>) target(%dma_start3A_445 : memref<16xf32, #tpu.memory_space<hbm>>) target_semaphore(%run_scoped3A : memref<!tpu.dma_semaphore, #tpu.memory_space<semaphore_mem>>)
      %dma_wait3A_446 = tpu.memref_slice %arg5[%mul3A_443] : memref<512xf32, #tpu.memory_space<hbm>> -> memref<16xf32, #tpu.memory_space<hbm>>
      %dma_wait3A_447 = tpu.memref_slice %arg5[%mul3A_443] : memref<512xf32, #tpu.memory_space<hbm>> -> memref<16xf32, #tpu.memory_space<hbm>>
      tpu.wait_dma2 semaphore(%run_scoped3A : memref<!tpu.dma_semaphore, #tpu.memory_space<semaphore_mem>>) src(%arg12 : memref<16xf32, #tpu.memory_space<vmem>>) dst(%dma_wait3A_447 : memref<16xf32, #tpu.memory_space<hbm>>)
      tpu.yield
    }) : () -> ()
    return
  }
}

module attributes {stable_mosaic.version = 14 : i64} {
  func.func @_idx_build_body(%arg0: i32, %arg1: memref<128x512xi32, #tpu.memory_space<vmem>>, %arg2: memref<512x128xi32, #tpu.memory_space<vmem>>) attributes {dimension_semantics = [#tpu.dimension_semantics<arbitrary>], iteration_bounds = array<i64: 32>, scalar_prefetch = 0 : i64, scratch_operands = 0 : i64, tpu.core_type = #tpu.core_type<tc>, window_params = [{transform_indices = @transform_0, window_bounds = array<i64: 128, 512>}, {transform_indices = @transform_1, window_bounds = array<i64: 512, 128>}]} {
    %get3A = arith.constant 0 : index
    %get3A_0 = arith.constant 0 : index
    %get3A_1 = vector.load %arg1[%get3A, %get3A_0] : memref<128x512xi32, #tpu.memory_space<vmem>>, vector<128x512xi32>
    %slice3A = vector.extract_strided_slice %get3A_1 {offsets = [0, 1], sizes = [128, 511], strides = [1, 1]} : vector<128x512xi32> to vector<128x511xi32>
    %broadcast_in_dim3A = arith.constant 0 : i32
    %broadcast_in_dim3A_2 = vector.broadcast %broadcast_in_dim3A : i32 to vector<128x1xi32>
    %concatenate3A = tpu.concatenate %slice3A, %broadcast_in_dim3A_2 in 1 : vector<128x511xi32>, vector<128x1xi32> -> vector<128x512xi32>
    %iota3A = tpu.iota {dimensions = array<i32: 1>} : vector<128x512xi32>
    %eq3A = arith.constant 511 : i32
    %eq3A_3 = vector.broadcast %eq3A : i32 to vector<128x512xi32>
    %eq3A_4 = arith.cmpi eq, %iota3A, %eq3A_3 : vector<128x512xi32>
    %slice3A_5 = vector.extract_strided_slice %get3A_1 {offsets = [0, 0], sizes = [128, 1], strides = [1, 1]} : vector<128x512xi32> to vector<128x1xi32>
    %mul3A = arith.constant 8192 : i32
    %mul3A_6 = vector.broadcast %mul3A : i32 to vector<128x512xi32>
    %mul3A_7 = arith.muli %get3A_1, %mul3A_6 : vector<128x512xi32>
    %add3A = arith.addi %mul3A_7, %concatenate3A : vector<128x512xi32>
    %broadcast_in_dim3A_8 = vector.shape_cast %slice3A_5 : vector<128x1xi32> to vector<128x1xi32>
    %broadcast_in_dim3A_9 = vector.broadcast %broadcast_in_dim3A_8 : vector<128x1xi32> to vector<128x512xi32>
    %select_n3A = arith.select %eq3A_4, %broadcast_in_dim3A_9, %add3A : vector<128x512xi1>, vector<128x512xi32>
    %reshape3A = vector.shape_cast %select_n3A : vector<128x512xi32> to vector<512x128xi32>
    %swap3A = arith.constant 0 : index
    %swap3A_10 = arith.constant 0 : index
    %swap3A_11 = vector.load %arg2[%swap3A, %swap3A_10] : memref<512x128xi32, #tpu.memory_space<vmem>>, vector<512x128xi32>
    tpu.vector_store %arg2[%swap3A, %swap3A_10], %reshape3A {strides = array<i32>} : memref<512x128xi32, #tpu.memory_space<vmem>>, vector<512x128xi32>,
    return
  }
  func.func @transform_0(%arg0: i32) -> (i32, i32) {
    %c0_i32 = arith.constant 0 : i32
    %c0_i32_0 = arith.constant 0 : i32
    return %arg0, %c0_i32 : i32, i32
  }
  func.func @transform_1(%arg0: i32) -> (i32, i32) {
    %c0_i32 = arith.constant 0 : i32
    %c0_i32_0 = arith.constant 0 : i32
    return %arg0, %c0_i32 : i32, i32
  }
}

</mosaic_0001>

<sc_bundles>
// kernel: kernel.4.cloned.1.call-start
scs
__scs_entry_jumppad:
0x0: {  	(pc) =	sbr.rel $0x88, $3  }
0x1: {  	(tag) =	ssettag $0x0;
	lr =	simm.s32 $0x1  }
0x2: {  	[smem:$0x3F9E] =	sst lr;
	_ =	strace $0xD0000000  }
0x3: {  	_ = 	snop  }
0x4: {  	_ = 	snop  }
0x5: {  	_ = 	snop  }
0x6: {  	_ = 	snop  }
0x7: {  	_ = 	snop  }
__scs_overlays_trampoline_lowered:
0x8: {  	[smem:$0x3FAD] =	sst s0  }
0x9: {  	[smem:$0x3FAE] =	sst s1  }
0xa: {  	[smem:$0x3FAF] =	sst s2  }
0xb: {  	[smem:$0x3FB0] =	sst s3  }
0xc: {  	[smem:$0x3FB1] =	sst s4  }
0xd: {  	[smem:$0x3FB2] =	sst s5  }
0xe: {  	[smem:$0x3FB3] =	sst s6  }
0xf: {  	[smem:$0x3FB4] =	sst s7  }
0x10: {  	[smem:$0x3FB5] =	sst s8  }
0x11: {  	[smem:$0x3FB6] =	sst s9;
	s0 =	simm.s32 @!p0 $0x0  }
0x12: {  	s1 =	sld [smem:$0x3F9C];
	s0 =	simm.s32 @p0 $0x1  }
0x13: {  	[smem:$0x3FB7] =	sst s0;
	s0 =	simm.s32 @!p1 $0x0  }
0x14: {  	s2 =	sld [smem:$0x3F9B];
	s0 =	simm.s32 @p1 $0x1  }
0x15: {  	[smem:$0x3FB8] =	sst s0;
	s0 =	simm.s32 @!p2 $0x0  }
0x16: {  	s3 =	sld [smem:$0x3FDB];
	s0 =	simm.s32 @p2 $0x1  }
0x17: {  	s4 =	simm.s32 $0x1BF5;
	[smem:$0x3FBA] =	sst s0  }
0x18: {  	s0 =	sld [smem:$0x3F9D];
	_ =	swait.ge [sflag:s4], $0x0  }
0x19: {  	s7 =	sld [smem:$0x3F9E]  }
0x1a: {  	s8 =	sadd.s32 $0xFFFFE003, lr  }
0x1b: {  	s9 =	sadd.s32 $0xFFFFFEF7, lr;
	s5 =	simm.s32 $0xFFFFFFFF;
	p2 =	slt.u32 s8, $0xFFFFF086  }
0x1c: {  	p1 =	slt.u32 s9, $0xF7A;
	s5 =	simm.s32 @!p2 $0x0  }
0x1d: {  	s5 =	simm.s32 @p1 $0x1;
	p0 =	seq.s32 s7, s2  }
0x1e: {  	s7 =	smul.u32 @!p0 $0xF7A, s2;
	p2 =	seq.s32 @!p0 s5, $0x0  }
0x1f: {  	s9 =	smul.u32 $0xF7A, s1;
	s8 =	simm.s32 @!p0 $0x1BF5;
	p2 =	por !p2, p0  }
0x20: {  	[sflag:s8] =	ssyncset.s32 @!p0 $0xFFFFF086;
	s6 =	sadd.s32 @!p0 s3, s7;
	s7 =	simm.s32 @!p0 $0x108  }
0x21: {  	s3 =	sadd.s32 s3, s9;
	s6 =	sadd.s32 @!p0 $0x88, s6;
	s7 =	simm.s32 @p2 $0x1082  }
0x22: {  	[simem:s7], [sflag:s8] =	dma.local @!p0 [hbm:s6], $0xF7A  }
0x23: {  	s9 =	sor.u32 $0xD0000000, s2;
	s6 =	simm.s32 $0x108;
	_ =	swait.ge @!p0 [sflag:s8], $0x0  }
0x24: {  	s3 =	sadd.s32 $0x88, s3;
	s6 =	simm.s32 @!p1 $0x1082;
	[sflag:s4] =	ssyncset.s32 $0xFFFFF086  }
0x25: {  	[simem:s6], [sflag:s4] =	dma.local [hbm:s3], $0xF7A  }
0x26: {  	[smem:$0x3F9E] =	sst s1;
	(tag) =	ssettag s2;
	_ =	strace s9  }
0x27: {  	s1 =	sld [smem:$0x3FAE]  }
0x28: {  	s2 =	sld [smem:$0x3FAF]  }
0x29: {  	s4 =	sld [smem:$0x3FB1]  }
0x2a: {  	p0 =	seq.s32 s5, $0x0;
	s5 =	sld [smem:$0x3FB2]  }
0x2b: {  	s6 =	sld [smem:$0x3FB3]  }
0x2c: {  	s7 =	sld [smem:$0x3FB4]  }
0x2d: {  	s3 =	simm.s32 $0x108;
	s8 =	sld [smem:$0x3FB5]  }
0x2e: {  	s3 =	simm.s32 @!p0 $0x1082;
	s9 =	sld [smem:$0x3FB6]  }
0x2f: {  	lr =	sadd.s32 s0, s3;
	s0 =	sld [smem:$0x3FAD]  }
0x30: {  	s3 =	sld [smem:$0x3FB0]  }
0x31: {  	[smem:$0x3FB9] =	sst s10  }
0x32: {  	s10 =	sld [smem:$0x3FB7];
	_ =	sdelay $0x3  }
0x33: {  	p0 =	seq.s32 s10, $0x1;
	s10 =	sld [smem:$0x3FB9];
	_ =	sdelay $0x3  }
0x34: {  	[smem:$0x3FB9] =	sst s10  }
0x35: {  	s10 =	sld [smem:$0x3FB8];
	_ =	sdelay $0x3  }
0x36: {  	p1 =	seq.s32 s10, $0x1;
	s10 =	sld [smem:$0x3FB9];
	_ =	sdelay $0x3  }
0x37: {  	[smem:$0x3FB9] =	sst s10  }
0x38: {  	s10 =	sld [smem:$0x3FBA]  }
0x39: {  	_ = 	snop;
	(pc) =	sbr.ind lr, $3  }
0x3a: {  	_ = 	snop  }
0x3b: {  	_ = 	snop  }
0x3c: {  	p2 =	seq.s32 s10, $0x1;
	s10 =	sld [smem:$0x3FB9]  }
0x3d: {  	_ =	shalt  }
0x3e: {  	_ =	shalt  }
0x3f: {  	_ =	shalt  }
0x40: {  	_ =	shalt  }
0x41: {  	_ =	shalt  }
0x42: {  	_ =	shalt  }
0x43: {  	_ =	shalt  }
0x44: {  	_ =	shalt  }
0x45: {  	_ =	shalt  }
0x46: {  	_ =	shalt  }
0x47: {  	_ =	shalt  }
0x48: {  	_ =	shalt  }
0x49: {  	_ =	shalt  }
0x4a: {  	_ =	shalt  }
0x4b: {  	_ =	shalt  }
0x4c: {  	_ =	shalt  }
0x4d: {  	_ =	shalt  }
0x4e: {  	_ =	shalt  }
0x4f: {  	_ =	shalt  }
0x50: {  	_ =	shalt  }
0x51: {  	_ =	shalt  }
0x52: {  	_ =	shalt  }
0x53: {  	_ =	shalt  }
0x54: {  	_ =	shalt  }
0x55: {  	_ =	shalt  }
0x56: {  	_ =	shalt  }
0x57: {  	_ =	shalt  }
0x58: {  	_ =	shalt  }
0x59: {  	_ =	shalt  }
0x5a: {  	_ =	shalt  }
0x5b: {  	_ =	shalt  }
0x5c: {  	_ =	shalt  }
0x5d: {  	_ =	shalt  }
0x5e: {  	_ =	shalt  }
0x5f: {  	_ =	shalt  }
0x60: {  	_ =	shalt  }
0x61: {  	_ =	shalt  }
0x62: {  	_ =	shalt  }
0x63: {  	_ =	shalt  }
0x64: {  	_ =	shalt  }
0x65: {  	_ =	shalt  }
0x66: {  	_ =	shalt  }
0x67: {  	_ =	shalt  }
0x68: {  	_ =	shalt  }
0x69: {  	_ =	shalt  }
0x6a: {  	_ =	shalt  }
0x6b: {  	_ =	shalt  }
0x6c: {  	_ =	shalt  }
0x6d: {  	_ =	shalt  }
0x6e: {  	_ =	shalt  }
0x6f: {  	_ =	shalt  }
0x70: {  	_ =	shalt  }
0x71: {  	_ =	shalt  }
0x72: {  	_ =	shalt  }
0x73: {  	_ =	shalt  }
0x74: {  	_ =	shalt  }
0x75: {  	_ =	shalt  }
0x76: {  	_ =	shalt  }
0x77: {  	_ =	shalt  }
0x78: {  	_ =	shalt  }
0x79: {  	_ =	shalt  }
0x7a: {  	_ =	shalt  }
0x7b: {  	_ =	shalt  }
0x7c: {  	_ =	shalt  }
0x7d: {  	_ =	shalt  }
0x7e: {  	_ =	shalt  }
0x7f: {  	_ =	shalt  }
0x80: {  	_ =	shalt  }
0x81: {  	_ =	shalt  }
0x82: {  	_ =	shalt  }
0x83: {  	_ =	shalt  }
0x84: {  	_ =	shalt  }
0x85: {  	_ =	shalt  }
0x86: {  	_ =	shalt  }
0x87: {  	_ =	shalt  }
.Lfunc_end0:
.L_simem_size_0:
called_computation.1_lowered:
.L_overlay_start_0:
0x88: {  	s2 =	sld [smem:$0x3FD9]  }
0x89: {  	s3 =	sld [smem:$0x3FFE];
	_ =	sdelay $0x1  }
0x8a: {  	s1 =	srdreg.scid  }
0x8b: {  	s0 =	sand.u32 $0x1, s1  }
0x8c: {  	s17 =	sshll.u32 s0, $0xA;
	s2 =	sadd.s32 s3, s2  }
0x8d: {  	s2 =	sadd.s32 s2, s17  }
0x8e: {  	[smem:$0x3FC5] =	sst s2  }
0x8f: {  	_ = 	snop  }
0x90: {  	s2 =	sld [smem:$0x3FC8];
	(tm) =	ssettm $0x1  }
0x91: {  	s18 =	sld [smem:$0x3FFB];
	_ =	sdelay $0x3  }
0x92: {  	_ =	strace s18  }
0x93: {  	s3 =	sld [smem:$0x3FFC];
	_ =	sdelay $0x3  }
0x94: {  	_ =	strace s3  }
0x95: {  	s3 =	sld [smem:$0x3FFD];
	_ =	sdelay $0x3  }
0x96: {  	_ =	strace s3  }
0x97: {  	_ =	strace $0x8FFFFFFF  }
0x98: {  	s19 =	sld [smem:$0x3FDB];
	_ =	sdelay $0x1  }
0x99: {  	s4 =	simm.s32 $_scs_section_size  }
0x9a: {  	s5 =	simm.s32 $_size__tile_overlayer_lowered;
	s6 =	simm.s32 $_tile_overlayer_lowered  }
0x9b: {  	s22 =	simm.s32 $0x1BFF;
	s21 =	sshll.u32 s6, $0x1;
	s3 =	sadd.s32 s4, s19  }
0x9c: {  	s7 =	simm.s32 $0x0;
	s20 =	sshll.u32 s5, $0x1;
	s5 =	sadd.s32 s21, s3  }
0x9d: {  	[timem:s7], [sflag:s22] =	dma.local [hbm:s5], s20  }
0x9e: {  	_ =	swait.ge [sflag:s22], s20  }
0x9f: {  	s4 =	ssub.s32 $0x0, s20;
	[sflag:s22] =	ssyncset.done $0x0  }
0xa0: {  	[sflag:s22] =	ssyncadd.s32 s4;
	_ =	sdelay $0x1  }
0xa1: {  	s23 =	simm.s32 $0x1B8B  }
0xa2: {  	_ =	swait.ge [sflag:s23], $0x1  }
0xa3: {  	[sflag:s23] =	ssyncset.done $0x0  }
0xa4: {  	s25 =	simm.s32 $0x1B8E;
	s24 =	sld [smem:$0x3FFE];
	[sflag:s23] =	ssyncadd.s32 $0xFFFFFFFF  }
0xa5: {  	s26 =	simm.s32 $execute0_lowered;
	[smem:$0x3FD2] =	sst s25  }
0xa6: {  	s5 =	sshll.u32 s26, $0x1;
	_ =	strace $0x80000049;
	[dreg:$0x1] =	wrdreg $0xFFFFFFFF  }
0xa7: {  	s28 =	simm.s32 $_size_execute0_lowered;
	s3 =	sadd.s32 s3, s5;
	[dreg:$0x0] =	wrdreg $0x0  }
0xa8: {  	s5 =	sshll.u32 s28, $0x1;
	[dreg:$0x2] =	wrdreg s3  }
0xa9: {  	[dreg:$0x3] =	wrdreg s5  }
0xaa: {  	[dreg:$0x4] =	wrdreg $0xC0  }
0xab: {  	_ =	task [dreg:s7], $0x5FFFF  }
0xac: {  	[dreg:$0x1] =	wrdreg $0xFFFFFFFF  }
0xad: {  	[dreg:$0x0] =	wrdreg $0x60  }
0xae: {  	[dreg:$0x2] =	wrdreg s24  }
0xaf: {  	[dreg:$0x3] =	wrdreg s2  }
0xb0: {  	[dreg:$0x4] =	wrdreg $0x9  }
0xb1: {  	_ =	task.clear_ibuf [dreg:s7], $0x5FFFF;
	_ =	strace $0x90000049  }
0xb2: {  	s29 =	simm.s32 $0x9;
	_ =	strace $0x8000004B  }
0xb3: {  	_ =	swait.ge [sflag:s29], $0x1  }
0xb4: {  	[sflag:s29] =	ssyncadd.s32 $0xFFFFFFFF  }
0xb5: {  	_ =	strace $0x9000004B  }
0xb6: {  	_ =	sfence  }
0xb7: {  	s30 =	sld [smem:$0x0];
	_ =	sdelay $0x2  }
0xb8: {  	s31 =	sshll.u32 s1, $0xD;
	s1 =	sshrl.u32 s1, $0x2  }
0xb9: {  	s3 =	sand.u32 $0x4000, s31;
	s1 =	sadd.s32 s1, s30  }
0xba: {  	s0 =	sor.u32 s3, s0;
	s1 =	sshll.u32 s1, $0x11  }
0xbb: {  	s0 =	sor.u32 s1, s0  }
0xbc: {  	s0 =	sadd.s32 $0x8F2B, s0  }
0xbd: {  	[sflag:s0] =	ssyncadd.remote.s32 $0x1  }
0xbe: {  	_ =	sfence.sel $0xFFFF  }
0xbf: {  	[dreg:$0x0] =	wrdreg $0xFFFFFFFF;
	(pc) =	sbr.abs _section_cstart, $3  }
0xc0: {  	[dreg:$0x1] =	wrdreg $0xFFFFFFFF  }
0xc1: {  	_ =	task.clear_ibuf [dreg:s7], $0x2FFFF;
	_ =	strace $0x9FFFFFFF  }
0xc2: {  	(tm) =	ssettm $0x7FFFFFFF  }
0xc3: {  	_ =	shalt  }
tec
execute0_lowered:
.L_overlay_start_1:
0x0: {  	(tag) =	ssettag $0x1  }
0x1: {  	s5 =	rddreg [dreg:$0x0]  }
0x2: {  	s2 =	rddreg [dreg:$0x1]  }
0x3: {  	s0 =	rddreg [dreg:$0x2];
	s4 =	srdreg.scid  }
0x4: {  	s1 =	stileid.u32;
	s3 =	simm.s32 $0x0;
	s16 =	simm.s32 $0x80  }
0x5: {  	s17 =	simm.s32 $0x8000;
	s18 =	simm.s32 $0x2000;
	s19 =	simm.s32 $0x8080  }
0x6: {  	s20 =	simm.s32 $0x1;
	s21 =	simm.s32 $0x4000;
	s22 =	simm.s32 $0x2  }
0x7: {  	s23 =	simm.s32 $0x6000;
	s24 =	simm.s32 $0x8100;
	s25 =	simm.s32 $0x0  }
0x8: {  	s6 =	sand.u32 $0x1, s4;
	s31 =	sshll.u32 s1, $0x1;
	[smem:$0x7FF] =	sst s3  }
0x9: {  	s4 =	sor.u32 s6, s31;
	_ =	strace $0x8000004A;
	s14 =	ssub.s32 $0x2, s6  }
0xa: {  	s7 =	sshll.u32 s4, $0xD;
	s8 =	sshll.u32 s4, $0x1;
	s4 =	sadd.s32 $0x800, s5  }
0xb: {  	s15 =	sshrl.u32 s14, $0x1;
	s12 =	sadd.s32 s7, s5;
	s13 =	sadd.s32 s8, s5  }
0xc: {  	v0 =	vlaneseq.u32;
	s14 =	ssub.s32 s14, s15;
	s5 =	sadd.s32 $0x800800, s12;
	s6 =	sadd.s32 $0x800C00, s12  }
0xd: {  	v1 =	vmul.u32 $0x200, v0;
	s15 =	simm.s32 $0x3;
	s7 =	sadd.s32 $0x801400, s12;
	s8 =	sadd.s32 $0x801800, s12  }
0xe: {  	s9 =	sadd.s32 $0x801000, s12;
	s10 =	sadd.s32 $0x801C00, s12;
	s11 =	sadd.s32 $0x802000, s12  }
0xf: {  	vm0 =	vmmov $0xffff;
	v1 =	vor.u32 $0x1FF, v1;
	s12 =	sadd.s32 $0x802400, s12;
	s13 =	sadd.s32 $0x840800, s13;
	s14 =	smax.u32 s14, $0x1  }
.LBB2_1:
0x10: {  	[tilespmem:s3], [sflag:$0x3] =	stream.linear.gather [hbm4b:s5+s3], $0x2000, $0x38;
	[tilespmem:$0x8180] =	vst v63  }
0x11: {  	_ =	swait.ge [sflag:s15], $0x2000  }
0x12: {  	s26 =	simm.s32 $0x200;
	[sflag:s15] =	ssyncset.done $0x0  }
0x13: {  	s28 =	simm.s32 $0x0;
	s29 =	simm.s32 $0x4000;
	[sflag:s15] =	ssyncadd.s32 $0xFFFFE000  }
.LBB2_2:
0x14: {  	[tilespmem:s29], [sflag:$0x1] =	stream.indirect.gather [hbm4b:s4+s16], $0x1, s28, s16, $0xb8;
	[tilespmem:$0x8180] =	vst v63  }
0x15: {  	s28 =	smov.u32 s26;
	p0 =	sne.s32 s26, $0x7E00  }
.Ltmp0:
0x16: {  	s26 =	sadd.s32 $0x200, s26;
	(pc) =	sbr.rel @p0 .LBB2_2-.Ltmp0, $3  }
0x17: {  	_ =	sdelay $0x1  }
0x18: {  	s28 =	sshra.s32 s28, $0x2  }
0x19: {  	s29 =	sadd.s32 $0x4000, s28  }
0x1a: {  	_ =	sdelay $0x1  }
0x1b: {  	[tilespmem:s29], [sflag:$0x1] =	stream.indirect.gather [hbm4b:s4+s16], $0x1, s28, s16, $0xb8;
	[tilespmem:$0x8180] =	vst v63  }
0x1c: {  	s26 =	simm.s32 $0x0  }
0x1d: {  	v2 =	vld.idx.msk [tilespmem:v1+s26+$0x0], $0xffff;
	_ =	sdelay $0x7  }
0x1e: {  	[tilespmem:s17], [sflag:$0x1] =	stream.indirect_vreg.gather [hbm4b:s2+s26], $0x1, v2, vm0, $0xb8;
	[tilespmem:$0x8180] =	vst v63  }
0x1f: {  	_ = 	snop  }
0x20: {  	[tilespmem:s18], [sflag:$0x3] =	stream.linear.gather [hbm4b:s6+s26], $0x2000, $0x38;
	[tilespmem:$0x8180] =	vst v63  }
0x21: {  	_ =	swait.ge [sflag:s15], $0x2000  }
0x22: {  	s28 =	simm.s32 $0x6000;
	[sflag:s15] =	ssyncset.done $0x0  }
0x23: {  	s29 =	simm.s32 $0x2000;
	s26 =	simm.s32 $0x200;
	[sflag:s15] =	ssyncadd.s32 $0xFFFFE000  }
.LBB2_4:
0x24: {  	[tilespmem:s28], [sflag:$0x2] =	stream.indirect.gather [hbm4b:s4+s16], $0x1, s29, s16, $0xb8;
	[tilespmem:$0x8180] =	vst v63  }
0x25: {  	s28 =	smov.u32 s26;
	p0 =	sne.s32 s26, $0x7E00  }
.Ltmp1:
0x26: {  	s26 =	sadd.s32 $0x200, s26;
	(pc) =	sbr.rel @p0 .LBB2_4-.Ltmp1, $3  }
0x27: {  	_ =	sdelay $0x1  }
0x28: {  	s29 =	sshra.s32 s28, $0x2  }
0x29: {  	s28 =	sadd.s32 $0x6000, s29;
	s29 =	sadd.s32 $0x2000, s29  }
0x2a: {  	_ =	sdelay $0x2  }
0x2b: {  	[tilespmem:s28], [sflag:$0x2] =	stream.indirect.gather [hbm4b:s4+s16], $0x1, s29, s16, $0xb8;
	[tilespmem:$0x8180] =	vst v63  }
0x2c: {  	v2 =	vld.idx.msk [tilespmem:v1+s18+$0x0], $0xffff;
	_ =	sdelay $0x7  }
0x2d: {  	[tilespmem:s19], [sflag:$0x2] =	stream.indirect_vreg.gather [hbm4b:s2+s3], $0x1, v2, vm0, $0xb8;
	[tilespmem:$0x8180] =	vst v63  }
0x2e: {  	_ =	swait.ge [sflag:s20], $0x80  }
0x2f: {  	s26 =	simm.s32 $0x3F;
	[sflag:s20] =	ssyncset.done $0x0  }
.LBB2_6:
0x30: {  	p0 =	sne.s32 s26, $0x1;
	s26 =	sadd.s32 $0xFFFFFFFF, s26;
	[sflag:s20] =	ssyncadd.s32 $0xFFFFFF80  }
.Ltmp2:
0x31: {  	(pc) =	sbr.rel @p0 .LBB2_6-.Ltmp2, $3  }
0x32: {  	_ =	sdelay $0x1  }
0x33: {  	_ =	swait.ge [sflag:s20], $0x80  }
0x34: {  	[sflag:s20] =	ssyncset.done $0x0  }
0x35: {  	[sflag:s20] =	ssyncadd.s32 $0xFFFFFF80  }
0x36: {  	_ =	swait.ge [sflag:s20], $0x10  }
0x37: {  	[sflag:s20] =	ssyncset.done $0x0  }
0x38: {  	[sflag:s20] =	ssyncadd.s32 $0xFFFFFFF0  }
0x39: {  	s26 =	simm.s32 $0x0;
	v2 =	vld [tilespmem:$0x8000]  }
0x3a: {  	v3 =	vor.u32 s26, v0;
	_ =	sdelay $0x3  }
0x3b: {  	s31 =	simm.s32 $0x10;
	[tilespmem:v1+s21+$0x0] =	vst.idx.msk $0xffff, v2  }
0x3c: {  	v2 =	vor.u32 s31, v0;
	v4 =	vld.idx.msk [tilespmem:v3+s21+$0x0], $0xffff;
	_ =	sdelay $0x3  }
0x3d: {  	v5 =	vimm.f32 $1.000000000e+00;
	v6 =	vimm.f32 $+Inf  }
0x3e: {  	s26 =	simm.s32 $0x20;
	v3 =	vimm.s32 $0x0;
	v2 =	vld.idx.msk [tilespmem:v2+s21+$0x0], $0xffff;
	v5 =	vmul.f32 v4, v5;
	v4 =	vmin.f32 v6, v4  }
.LBB2_8:
0x3f: {  	v6 =	vor.u32 s26, v0;
	p0 =	sne.s32 s26, $0x1FF0;
	s26 =	sadd.s32 $0x10, s26  }
.Ltmp3:
0x40: {  	v7 =	vshra.s32 v5, $0x17;
	v5 =	vand.u32 $0x7FFFFF, v5;
	(pc) =	sbr.rel @p0 .LBB2_8-.Ltmp3, $2  }
0x41: {  	v3 =	vadd.s32 v3, v7;
	v5 =	vor.u32 $0x3F800000, v5;
	_ =	sdelay $0x2  }
0x42: {  	v5 =	vmul.f32 v2, v5;
	v4 =	vmin.f32 v4, v2;
	v2 =	vld.idx.msk [tilespmem:v6+s21+$0x0], $0xffff  }
0x43: {  	_ =	sdelay $0x1  }
0x44: {  	v6 =	vand.u32 $0x7FFFFF, v5  }
0x45: {  	s26 =	simm.s32 $0x0;
	v6 =	vor.u32 $0x3F800000, v6  }
0x46: {  	[tilespmem:s26], [sflag:$0x3] =	stream.linear.gather [hbm4b:s9+s26], $0x2000, $0x38;
	v6 =	vmul.f32 v2, v6;
	[tilespmem:$0x8180] =	vst v63  }
0x47: {  	v5 =	vshra.s32 v5, $0x17;
	_ =	swait.ge [sflag:s15], $0x2000  }
0x48: {  	s28 =	simm.s32 $0x0;
	v5 =	vadd.s32 v3, v5;
	[sflag:s15] =	ssyncset.done $0x0;
	v7 =	vshra.s32 v6, $0x17;
	v6 =	vand.u32 $0x7FFFFF, v6  }
0x49: {  	s29 =	simm.s32 $0x4000;
	s26 =	simm.s32 $0x200;
	[sflag:s15] =	ssyncadd.s32 $0xFFFFE000;
	v3 =	vmin.f32 v4, v2;
	v2 =	vadd.s32 v5, v7;
	v4 =	vor.u32 $0x3F800000, v6  }
.LBB2_10:
0x4a: {  	[tilespmem:s29], [sflag:$0x1] =	stream.indirect.gather [hbm4b:s4+s16], $0x1, s28, s16, $0xb8;
	[tilespmem:$0x8180] =	vst v63  }
0x4b: {  	s28 =	smov.u32 s26;
	p0 =	sne.s32 s26, $0x7E00  }
.Ltmp4:
0x4c: {  	s26 =	sadd.s32 $0x200, s26;
	(pc) =	sbr.rel @p0 .LBB2_10-.Ltmp4, $3  }
0x4d: {  	_ =	sdelay $0x1  }
0x4e: {  	s28 =	sshra.s32 s28, $0x2  }
0x4f: {  	s29 =	sadd.s32 $0x4000, s28  }
0x50: {  	_ =	sdelay $0x2  }
0x51: {  	[tilespmem:s29], [sflag:$0x1] =	stream.indirect.gather [hbm4b:s4+s16], $0x1, s28, s16, $0xb8;
	[tilespmem:$0x8180] =	vst v63  }
0x52: {  	v5 =	vld.idx.msk [tilespmem:v1+s3+$0x0], $0xffff;
	_ =	sdelay $0x7  }
0x53: {  	[tilespmem:s17], [sflag:$0x1] =	stream.indirect_vreg.gather [hbm4b:s2+s3], $0x1, v5, vm0, $0xb8;
	[tilespmem:$0x8180] =	vst v63  }
0x54: {  	_ =	swait.ge [sflag:s22], $0x80  }
0x55: {  	s26 =	simm.s32 $0x3F;
	[sflag:s22] =	ssyncset.done $0x0  }
.LBB2_12:
0x56: {  	p0 =	sne.s32 s26, $0x1;
	s26 =	sadd.s32 $0xFFFFFFFF, s26;
	[sflag:s22] =	ssyncadd.s32 $0xFFFFFF80  }
.Ltmp5:
0x57: {  	(pc) =	sbr.rel @p0 .LBB2_12-.Ltmp5, $3  }
0x58: {  	_ =	sdelay $0x1  }
0x59: {  	_ =	swait.ge [sflag:s22], $0x80  }
0x5a: {  	[sflag:s22] =	ssyncset.done $0x0  }
0x5b: {  	[sflag:s22] =	ssyncadd.s32 $0xFFFFFF80  }
0x5c: {  	_ =	swait.ge [sflag:s22], $0x10  }
0x5d: {  	[sflag:s22] =	ssyncset.done $0x0  }
0x5e: {  	[sflag:s22] =	ssyncadd.s32 $0xFFFFFFF0  }
0x5f: {  	s26 =	simm.s32 $0x0;
	v5 =	vld [tilespmem:$0x8080]  }
0x60: {  	v6 =	vor.u32 s26, v0;
	_ =	sdelay $0x3  }
0x61: {  	s31 =	simm.s32 $0x10;
	[tilespmem:v1+s23+$0x0] =	vst.idx.msk $0xffff, v5  }
0x62: {  	v5 =	vor.u32 s31, v0;
	v6 =	vld.idx.msk [tilespmem:v6+s23+$0x0], $0xffff;
	_ =	sdelay $0x4  }
0x63: {  	s26 =	simm.s32 $0x20;
	v5 =	vld.idx.msk [tilespmem:v5+s23+$0x0], $0xffff;
	v4 =	vmul.f32 v6, v4;
	v3 =	vmin.f32 v3, v6  }
.LBB2_14:
0x64: {  	v6 =	vor.u32 s26, v0;
	p0 =	sne.s32 s26, $0x1FF0;
	s26 =	sadd.s32 $0x10, s26  }
.Ltmp6:
0x65: {  	v7 =	vshra.s32 v4, $0x17;
	v4 =	vand.u32 $0x7FFFFF, v4;
	(pc) =	sbr.rel @p0 .LBB2_14-.Ltmp6, $2  }
0x66: {  	v2 =	vadd.s32 v2, v7;
	v4 =	vor.u32 $0x3F800000, v4;
	_ =	sdelay $0x2  }
0x67: {  	v4 =	vmul.f32 v5, v4;
	v3 =	vmin.f32 v3, v5;
	v5 =	vld.idx.msk [tilespmem:v6+s23+$0x0], $0xffff  }
0x68: {  	_ =	sdelay $0x1  }
0x69: {  	v6 =	vand.u32 $0x7FFFFF, v4  }
0x6a: {  	s26 =	simm.s32 $0x0;
	v6 =	vor.u32 $0x3F800000, v6  }
0x6b: {  	[tilespmem:s18], [sflag:$0x3] =	stream.linear.gather [hbm4b:s7+s26], $0x2000, $0x38;
	v6 =	vmul.f32 v5, v6;
	[tilespmem:$0x8180] =	vst v63  }
0x6c: {  	v4 =	vshra.s32 v4, $0x17;
	_ =	swait.ge [sflag:s15], $0x2000  }
0x6d: {  	s28 =	simm.s32 $0x6000;
	v2 =	vadd.s32 v2, v4;
	[sflag:s15] =	ssyncset.done $0x0;
	v4 =	vshra.s32 v6, $0x17;
	v6 =	vand.u32 $0x7FFFFF, v6  }
0x6e: {  	s29 =	simm.s32 $0x2000;
	s26 =	simm.s32 $0x200;
	[sflag:s15] =	ssyncadd.s32 $0xFFFFE000;
	v3 =	vmin.f32 v3, v5;
	v2 =	vadd.s32 v2, v4;
	v4 =	vor.u32 $0x3F800000, v6  }
.LBB2_16:
0x6f: {  	[tilespmem:s28], [sflag:$0x2] =	stream.indirect.gather [hbm4b:s4+s16], $0x1, s29, s16, $0xb8;
	[tilespmem:$0x8180] =	vst v63  }
0x70: {  	s28 =	smov.u32 s26;
	p0 =	sne.s32 s26, $0x7E00  }
.Ltmp7:
0x71: {  	s26 =	sadd.s32 $0x200, s26;
	(pc) =	sbr.rel @p0 .LBB2_16-.Ltmp7, $3  }
0x72: {  	_ =	sdelay $0x1  }
0x73: {  	s29 =	sshra.s32 s28, $0x2  }
0x74: {  	s28 =	sadd.s32 $0x6000, s29;
	s29 =	sadd.s32 $0x2000, s29  }
0x75: {  	_ =	sdelay $0x2  }
0x76: {  	[tilespmem:s28], [sflag:$0x2] =	stream.indirect.gather [hbm4b:s4+s16], $0x1, s29, s16, $0xb8;
	[tilespmem:$0x8180] =	vst v63  }
0x77: {  	v5 =	vld.idx.msk [tilespmem:v1+s18+$0x0], $0xffff;
	_ =	sdelay $0x7  }
0x78: {  	[tilespmem:s19], [sflag:$0x2] =	stream.indirect_vreg.gather [hbm4b:s2+s3], $0x1, v5, vm0, $0xb8;
	[tilespmem:$0x8180] =	vst v63  }
0x79: {  	_ =	swait.ge [sflag:s20], $0x80  }
0x7a: {  	s26 =	simm.s32 $0x3F;
	[sflag:s20] =	ssyncset.done $0x0  }
.LBB2_18:
0x7b: {  	p0 =	sne.s32 s26, $0x1;
	s26 =	sadd.s32 $0xFFFFFFFF, s26;
	[sflag:s20] =	ssyncadd.s32 $0xFFFFFF80  }
.Ltmp8:
0x7c: {  	(pc) =	sbr.rel @p0 .LBB2_18-.Ltmp8, $3  }
0x7d: {  	_ =	sdelay $0x1  }
0x7e: {  	_ =	swait.ge [sflag:s20], $0x80  }
0x7f: {  	[sflag:s20] =	ssyncset.done $0x0  }
0x80: {  	[sflag:s20] =	ssyncadd.s32 $0xFFFFFF80  }
0x81: {  	_ =	swait.ge [sflag:s20], $0x10  }
0x82: {  	[sflag:s20] =	ssyncset.done $0x0  }
0x83: {  	[sflag:s20] =	ssyncadd.s32 $0xFFFFFFF0  }
0x84: {  	s26 =	simm.s32 $0x0;
	v5 =	vld [tilespmem:$0x8000]  }
0x85: {  	v6 =	vor.u32 s26, v0;
	_ =	sdelay $0x3  }
0x86: {  	s31 =	simm.s32 $0x10;
	[tilespmem:v1+s21+$0x0] =	vst.idx.msk $0xffff, v5  }
0x87: {  	v5 =	vor.u32 s31, v0;
	v6 =	vld.idx.msk [tilespmem:v6+s21+$0x0], $0xffff;
	_ =	sdelay $0x4  }
0x88: {  	s26 =	simm.s32 $0x20;
	v5 =	vld.idx.msk [tilespmem:v5+s21+$0x0], $0xffff;
	v4 =	vmul.f32 v6, v4;
	v3 =	vmin.f32 v3, v6  }
.LBB2_20:
0x89: {  	v6 =	vor.u32 s26, v0;
	p0 =	sne.s32 s26, $0x1FF0;
	s26 =	sadd.s32 $0x10, s26  }
.Ltmp9:
0x8a: {  	v7 =	vshra.s32 v4, $0x17;
	v4 =	vand.u32 $0x7FFFFF, v4;
	(pc) =	sbr.rel @p0 .LBB2_20-.Ltmp9, $2  }
0x8b: {  	v2 =	vadd.s32 v2, v7;
	v4 =	vor.u32 $0x3F800000, v4;
	_ =	sdelay $0x2  }
0x8c: {  	v4 =	vmul.f32 v5, v4;
	v3 =	vmin.f32 v3, v5;
	v5 =	vld.idx.msk [tilespmem:v6+s21+$0x0], $0xffff  }
0x8d: {  	_ =	sdelay $0x1  }
0x8e: {  	v6 =	vand.u32 $0x7FFFFF, v4  }
0x8f: {  	s26 =	simm.s32 $0x0;
	v6 =	vor.u32 $0x3F800000, v6  }
0x90: {  	[tilespmem:s26], [sflag:$0x3] =	stream.linear.gather [hbm4b:s8+s26], $0x2000, $0x38;
	v6 =	vmul.f32 v5, v6;
	[tilespmem:$0x8180] =	vst v63  }
0x91: {  	v4 =	vshra.s32 v4, $0x17;
	_ =	swait.ge [sflag:s15], $0x2000  }
0x92: {  	s28 =	simm.s32 $0x0;
	v2 =	vadd.s32 v2, v4;
	[sflag:s15] =	ssyncset.done $0x0;
	v4 =	vshra.s32 v6, $0x17;
	v6 =	vand.u32 $0x7FFFFF, v6  }
0x93: {  	s29 =	simm.s32 $0x4000;
	s26 =	simm.s32 $0x200;
	[sflag:s15] =	ssyncadd.s32 $0xFFFFE000;
	v3 =	vmin.f32 v3, v5;
	v2 =	vadd.s32 v2, v4;
	v4 =	vor.u32 $0x3F800000, v6  }
.LBB2_22:
0x94: {  	[tilespmem:s29], [sflag:$0x1] =	stream.indirect.gather [hbm4b:s4+s16], $0x1, s28, s16, $0xb8;
	[tilespmem:$0x8180] =	vst v63  }
0x95: {  	s28 =	smov.u32 s26;
	p0 =	sne.s32 s26, $0x7E00  }
.Ltmp10:
0x96: {  	s26 =	sadd.s32 $0x200, s26;
	(pc) =	sbr.rel @p0 .LBB2_22-.Ltmp10, $3  }
0x97: {  	_ =	sdelay $0x1  }
0x98: {  	s28 =	sshra.s32 s28, $0x2  }
0x99: {  	s29 =	sadd.s32 $0x4000, s28  }
0x9a: {  	_ =	sdelay $0x2  }
0x9b: {  	[tilespmem:s29], [sflag:$0x1] =	stream.indirect.gather [hbm4b:s4+s16], $0x1, s28, s16, $0xb8;
	[tilespmem:$0x8180] =	vst v63  }
0x9c: {  	v5 =	vld.idx.msk [tilespmem:v1+s3+$0x0], $0xffff;
	_ =	sdelay $0x7  }
0x9d: {  	[tilespmem:s17], [sflag:$0x1] =	stream.indirect_vreg.gather [hbm4b:s2+s3], $0x1, v5, vm0, $0xb8;
	[tilespmem:$0x8180] =	vst v63  }
0x9e: {  	_ =	swait.ge [sflag:s22], $0x80  }
0x9f: {  	s26 =	simm.s32 $0x3F;
	[sflag:s22] =	ssyncset.done $0x0  }
.LBB2_24:
0xa0: {  	p0 =	sne.s32 s26, $0x1;
	s26 =	sadd.s32 $0xFFFFFFFF, s26;
	[sflag:s22] =	ssyncadd.s32 $0xFFFFFF80  }
.Ltmp11:
0xa1: {  	(pc) =	sbr.rel @p0 .LBB2_24-.Ltmp11, $3  }
0xa2: {  	_ =	sdelay $0x1  }
0xa3: {  	_ =	swait.ge [sflag:s22], $0x80  }
0xa4: {  	[sflag:s22] =	ssyncset.done $0x0  }
0xa5: {  	[sflag:s22] =	ssyncadd.s32 $0xFFFFFF80  }
0xa6: {  	_ =	swait.ge [sflag:s22], $0x10  }
0xa7: {  	[sflag:s22] =	ssyncset.done $0x0  }
0xa8: {  	[sflag:s22] =	ssyncadd.s32 $0xFFFFFFF0  }
0xa9: {  	s26 =	simm.s32 $0x0;
	v5 =	vld [tilespmem:$0x8080]  }
0xaa: {  	v6 =	vor.u32 s26, v0;
	_ =	sdelay $0x3  }
0xab: {  	s31 =	simm.s32 $0x10;
	[tilespmem:v1+s23+$0x0] =	vst.idx.msk $0xffff, v5  }
0xac: {  	v5 =	vor.u32 s31, v0;
	v6 =	vld.idx.msk [tilespmem:v6+s23+$0x0], $0xffff;
	_ =	sdelay $0x4  }
0xad: {  	s26 =	simm.s32 $0x20;
	v5 =	vld.idx.msk [tilespmem:v5+s23+$0x0], $0xffff;
	v4 =	vmul.f32 v6, v4;
	v3 =	vmin.f32 v3, v6  }
.LBB2_26:
0xae: {  	v6 =	vor.u32 s26, v0;
	p0 =	sne.s32 s26, $0x1FF0;
	s26 =	sadd.s32 $0x10, s26  }
.Ltmp12:
0xaf: {  	v7 =	vshra.s32 v4, $0x17;
	v4 =	vand.u32 $0x7FFFFF, v4;
	(pc) =	sbr.rel @p0 .LBB2_26-.Ltmp12, $2  }
0xb0: {  	v2 =	vadd.s32 v2, v7;
	v4 =	vor.u32 $0x3F800000, v4;
	_ =	sdelay $0x2  }
0xb1: {  	v4 =	vmul.f32 v5, v4;
	v3 =	vmin.f32 v3, v5;
	v5 =	vld.idx.msk [tilespmem:v6+s23+$0x0], $0xffff  }
0xb2: {  	_ =	sdelay $0x1  }
0xb3: {  	v6 =	vand.u32 $0x7FFFFF, v4  }
0xb4: {  	s26 =	simm.s32 $0x0;
	v6 =	vor.u32 $0x3F800000, v6  }
0xb5: {  	[tilespmem:s18], [sflag:$0x3] =	stream.linear.gather [hbm4b:s10+s26], $0x2000, $0x38;
	v6 =	vmul.f32 v5, v6;
	[tilespmem:$0x8180] =	vst v63  }
0xb6: {  	v4 =	vshra.s32 v4, $0x17;
	_ =	swait.ge [sflag:s15], $0x2000  }
0xb7: {  	s28 =	simm.s32 $0x6000;
	v2 =	vadd.s32 v2, v4;
	[sflag:s15] =	ssyncset.done $0x0;
	v4 =	vshra.s32 v6, $0x17;
	v6 =	vand.u32 $0x7FFFFF, v6  }
0xb8: {  	s29 =	simm.s32 $0x2000;
	s26 =	simm.s32 $0x200;
	[sflag:s15] =	ssyncadd.s32 $0xFFFFE000;
	v3 =	vmin.f32 v3, v5;
	v2 =	vadd.s32 v2, v4;
	v4 =	vor.u32 $0x3F800000, v6  }
.LBB2_28:
0xb9: {  	[tilespmem:s28], [sflag:$0x2] =	stream.indirect.gather [hbm4b:s4+s16], $0x1, s29, s16, $0xb8;
	[tilespmem:$0x8180] =	vst v63  }
0xba: {  	s28 =	smov.u32 s26;
	p0 =	sne.s32 s26, $0x7E00  }
.Ltmp13:
0xbb: {  	s26 =	sadd.s32 $0x200, s26;
	(pc) =	sbr.rel @p0 .LBB2_28-.Ltmp13, $3  }
0xbc: {  	_ =	sdelay $0x1  }
0xbd: {  	s29 =	sshra.s32 s28, $0x2  }
0xbe: {  	s28 =	sadd.s32 $0x6000, s29;
	s29 =	sadd.s32 $0x2000, s29  }
0xbf: {  	_ =	sdelay $0x2  }
0xc0: {  	[tilespmem:s28], [sflag:$0x2] =	stream.indirect.gather [hbm4b:s4+s16], $0x1, s29, s16, $0xb8;
	[tilespmem:$0x8180] =	vst v63  }
0xc1: {  	v5 =	vld.idx.msk [tilespmem:v1+s18+$0x0], $0xffff;
	_ =	sdelay $0x7  }
0xc2: {  	[tilespmem:s19], [sflag:$0x2] =	stream.indirect_vreg.gather [hbm4b:s2+s3], $0x1, v5, vm0, $0xb8;
	[tilespmem:$0x8180] =	vst v63  }
0xc3: {  	_ =	swait.ge [sflag:s20], $0x80  }
0xc4: {  	s26 =	simm.s32 $0x3F;
	[sflag:s20] =	ssyncset.done $0x0  }
.LBB2_30:
0xc5: {  	p0 =	sne.s32 s26, $0x1;
	s26 =	sadd.s32 $0xFFFFFFFF, s26;
	[sflag:s20] =	ssyncadd.s32 $0xFFFFFF80  }
.Ltmp14:
0xc6: {  	(pc) =	sbr.rel @p0 .LBB2_30-.Ltmp14, $3  }
0xc7: {  	_ =	sdelay $0x1  }
0xc8: {  	_ =	swait.ge [sflag:s20], $0x80  }
0xc9: {  	[sflag:s20] =	ssyncset.done $0x0  }
0xca: {  	[sflag:s20] =	ssyncadd.s32 $0xFFFFFF80  }
0xcb: {  	_ =	swait.ge [sflag:s20], $0x10  }
0xcc: {  	[sflag:s20] =	ssyncset.done $0x0  }
0xcd: {  	[sflag:s20] =	ssyncadd.s32 $0xFFFFFFF0  }
0xce: {  	s26 =	simm.s32 $0x0;
	v5 =	vld [tilespmem:$0x8000]  }
0xcf: {  	v6 =	vor.u32 s26, v0;
	_ =	sdelay $0x3  }
0xd0: {  	s31 =	simm.s32 $0x10;
	[tilespmem:v1+s21+$0x0] =	vst.idx.msk $0xffff, v5  }
0xd1: {  	v5 =	vor.u32 s31, v0;
	v6 =	vld.idx.msk [tilespmem:v6+s21+$0x0], $0xffff;
	_ =	sdelay $0x4  }
0xd2: {  	s26 =	simm.s32 $0x20;
	v5 =	vld.idx.msk [tilespmem:v5+s21+$0x0], $0xffff;
	v4 =	vmul.f32 v6, v4;
	v3 =	vmin.f32 v3, v6  }
.LBB2_32:
0xd3: {  	v6 =	vor.u32 s26, v0;
	p0 =	sne.s32 s26, $0x1FF0;
	s26 =	sadd.s32 $0x10, s26  }
.Ltmp15:
0xd4: {  	v7 =	vshra.s32 v4, $0x17;
	v4 =	vand.u32 $0x7FFFFF, v4;
	(pc) =	sbr.rel @p0 .LBB2_32-.Ltmp15, $2  }
0xd5: {  	v2 =	vadd.s32 v2, v7;
	v4 =	vor.u32 $0x3F800000, v4;
	_ =	sdelay $0x2  }
0xd6: {  	v4 =	vmul.f32 v5, v4;
	v3 =	vmin.f32 v3, v5;
	v5 =	vld.idx.msk [tilespmem:v6+s21+$0x0], $0xffff  }
0xd7: {  	_ =	sdelay $0x1  }
0xd8: {  	v6 =	vand.u32 $0x7FFFFF, v4  }
0xd9: {  	s26 =	simm.s32 $0x0;
	v6 =	vor.u32 $0x3F800000, v6  }
0xda: {  	[tilespmem:s26], [sflag:$0x3] =	stream.linear.gather [hbm4b:s11+s26], $0x2000, $0x38;
	v6 =	vmul.f32 v5, v6;
	[tilespmem:$0x8180] =	vst v63  }
0xdb: {  	v4 =	vshra.s32 v4, $0x17;
	_ =	swait.ge [sflag:s15], $0x2000  }
0xdc: {  	s28 =	simm.s32 $0x0;
	v2 =	vadd.s32 v2, v4;
	[sflag:s15] =	ssyncset.done $0x0;
	v4 =	vshra.s32 v6, $0x17;
	v6 =	vand.u32 $0x7FFFFF, v6  }
0xdd: {  	s29 =	simm.s32 $0x4000;
	s26 =	simm.s32 $0x200;
	[sflag:s15] =	ssyncadd.s32 $0xFFFFE000;
	v3 =	vmin.f32 v3, v5;
	v2 =	vadd.s32 v2, v4;
	v4 =	vor.u32 $0x3F800000, v6  }
.LBB2_34:
0xde: {  	[tilespmem:s29], [sflag:$0x1] =	stream.indirect.gather [hbm4b:s4+s16], $0x1, s28, s16, $0xb8;
	[tilespmem:$0x8180] =	vst v63  }
0xdf: {  	s28 =	smov.u32 s26;
	p0 =	sne.s32 s26, $0x7E00  }
.Ltmp16:
0xe0: {  	s26 =	sadd.s32 $0x200, s26;
	(pc) =	sbr.rel @p0 .LBB2_34-.Ltmp16, $3  }
0xe1: {  	_ =	sdelay $0x1  }
0xe2: {  	s28 =	sshra.s32 s28, $0x2  }
0xe3: {  	s29 =	sadd.s32 $0x4000, s28  }
0xe4: {  	_ =	sdelay $0x2  }
0xe5: {  	[tilespmem:s29], [sflag:$0x1] =	stream.indirect.gather [hbm4b:s4+s16], $0x1, s28, s16, $0xb8;
	[tilespmem:$0x8180] =	vst v63  }
0xe6: {  	v5 =	vld.idx.msk [tilespmem:v1+s3+$0x0], $0xffff;
	_ =	sdelay $0x7  }
0xe7: {  	[tilespmem:s17], [sflag:$0x1] =	stream.indirect_vreg.gather [hbm4b:s2+s3], $0x1, v5, vm0, $0xb8;
	[tilespmem:$0x8180] =	vst v63  }
0xe8: {  	_ =	swait.ge [sflag:s22], $0x80  }
0xe9: {  	s26 =	simm.s32 $0x3F;
	[sflag:s22] =	ssyncset.done $0x0  }
.LBB2_36:
0xea: {  	p0 =	sne.s32 s26, $0x1;
	s26 =	sadd.s32 $0xFFFFFFFF, s26;
	[sflag:s22] =	ssyncadd.s32 $0xFFFFFF80  }
.Ltmp17:
0xeb: {  	(pc) =	sbr.rel @p0 .LBB2_36-.Ltmp17, $3  }
0xec: {  	_ =	sdelay $0x1  }
0xed: {  	_ =	swait.ge [sflag:s22], $0x80  }
0xee: {  	[sflag:s22] =	ssyncset.done $0x0  }
0xef: {  	[sflag:s22] =	ssyncadd.s32 $0xFFFFFF80  }
0xf0: {  	_ =	swait.ge [sflag:s22], $0x10  }
0xf1: {  	[sflag:s22] =	ssyncset.done $0x0  }
0xf2: {  	[sflag:s22] =	ssyncadd.s32 $0xFFFFFFF0  }
0xf3: {  	s26 =	simm.s32 $0x0;
	v5 =	vld [tilespmem:$0x8080]  }
0xf4: {  	v6 =	vor.u32 s26, v0;
	_ =	sdelay $0x3  }
0xf5: {  	s31 =	simm.s32 $0x10;
	[tilespmem:v1+s23+$0x0] =	vst.idx.msk $0xffff, v5  }
0xf6: {  	v5 =	vor.u32 s31, v0;
	v6 =	vld.idx.msk [tilespmem:v6+s23+$0x0], $0xffff;
	_ =	sdelay $0x4  }
0xf7: {  	s26 =	simm.s32 $0x20;
	v5 =	vld.idx.msk [tilespmem:v5+s23+$0x0], $0xffff;
	v4 =	vmul.f32 v6, v4;
	v3 =	vmin.f32 v3, v6  }
.LBB2_38:
0xf8: {  	v6 =	vor.u32 s26, v0;
	p0 =	sne.s32 s26, $0x1FF0;
	s26 =	sadd.s32 $0x10, s26  }
.Ltmp18:
0xf9: {  	v7 =	vshra.s32 v4, $0x17;
	v4 =	vand.u32 $0x7FFFFF, v4;
	(pc) =	sbr.rel @p0 .LBB2_38-.Ltmp18, $2  }
0xfa: {  	v2 =	vadd.s32 v2, v7;
	v4 =	vor.u32 $0x3F800000, v4;
	_ =	sdelay $0x2  }
0xfb: {  	v4 =	vmul.f32 v5, v4;
	v3 =	vmin.f32 v3, v5;
	v5 =	vld.idx.msk [tilespmem:v6+s23+$0x0], $0xffff  }
0xfc: {  	_ =	sdelay $0x1  }
0xfd: {  	v6 =	vand.u32 $0x7FFFFF, v4  }
0xfe: {  	s26 =	simm.s32 $0x0;
	v6 =	vor.u32 $0x3F800000, v6  }
0xff: {  	[tilespmem:s18], [sflag:$0x3] =	stream.linear.gather [hbm4b:s12+s26], $0x2000, $0x38;
	v6 =	vmul.f32 v5, v6;
	[tilespmem:$0x8180] =	vst v63  }
0x100: {  	v4 =	vshra.s32 v4, $0x17;
	_ =	swait.ge [sflag:s15], $0x2000  }
0x101: {  	s28 =	simm.s32 $0x6000;
	v2 =	vadd.s32 v2, v4;
	[sflag:s15] =	ssyncset.done $0x0;
	v4 =	vshra.s32 v6, $0x17;
	v6 =	vand.u32 $0x7FFFFF, v6  }
0x102: {  	s29 =	simm.s32 $0x2000;
	s26 =	simm.s32 $0x200;
	[sflag:s15] =	ssyncadd.s32 $0xFFFFE000;
	v3 =	vmin.f32 v3, v5;
	v2 =	vadd.s32 v2, v4;
	v4 =	vor.u32 $0x3F800000, v6  }
.LBB2_40:
0x103: {  	[tilespmem:s28], [sflag:$0x2] =	stream.indirect.gather [hbm4b:s4+s16], $0x1, s29, s16, $0xb8;
	[tilespmem:$0x8180] =	vst v63  }
0x104: {  	s28 =	smov.u32 s26;
	p0 =	sne.s32 s26, $0x7E00  }
.Ltmp19:
0x105: {  	s26 =	sadd.s32 $0x200, s26;
	(pc) =	sbr.rel @p0 .LBB2_40-.Ltmp19, $3  }
0x106: {  	_ =	sdelay $0x1  }
0x107: {  	s29 =	sshra.s32 s28, $0x2  }
0x108: {  	s28 =	sadd.s32 $0x6000, s29;
	s29 =	sadd.s32 $0x2000, s29  }
0x109: {  	_ =	sdelay $0x2  }
0x10a: {  	[tilespmem:s28], [sflag:$0x2] =	stream.indirect.gather [hbm4b:s4+s16], $0x1, s29, s16, $0xb8;
	[tilespmem:$0x8180] =	vst v63  }
0x10b: {  	v5 =	vld.idx.msk [tilespmem:v1+s18+$0x0], $0xffff;
	_ =	sdelay $0x7  }
0x10c: {  	[tilespmem:s19], [sflag:$0x2] =	stream.indirect_vreg.gather [hbm4b:s2+s3], $0x1, v5, vm0, $0xb8;
	[tilespmem:$0x8180] =	vst v63  }
0x10d: {  	_ =	swait.ge [sflag:s20], $0x80  }
0x10e: {  	s26 =	simm.s32 $0x3F;
	[sflag:s20] =	ssyncset.done $0x0  }
.LBB2_42:
0x10f: {  	p0 =	sne.s32 s26, $0x1;
	s26 =	sadd.s32 $0xFFFFFFFF, s26;
	[sflag:s20] =	ssyncadd.s32 $0xFFFFFF80  }
.Ltmp20:
0x110: {  	(pc) =	sbr.rel @p0 .LBB2_42-.Ltmp20, $3  }
0x111: {  	_ =	sdelay $0x1  }
0x112: {  	_ =	swait.ge [sflag:s20], $0x80  }
0x113: {  	[sflag:s20] =	ssyncset.done $0x0  }
0x114: {  	[sflag:s20] =	ssyncadd.s32 $0xFFFFFF80  }
0x115: {  	_ =	swait.ge [sflag:s20], $0x10  }
0x116: {  	[sflag:s20] =	ssyncset.done $0x0  }
0x117: {  	[sflag:s20] =	ssyncadd.s32 $0xFFFFFFF0  }
0x118: {  	s26 =	simm.s32 $0x0;
	v5 =	vld [tilespmem:$0x8000]  }
0x119: {  	v6 =	vor.u32 s26, v0;
	_ =	sdelay $0x3  }
0x11a: {  	s31 =	simm.s32 $0x10;
	[tilespmem:v1+s21+$0x0] =	vst.idx.msk $0xffff, v5  }
0x11b: {  	v5 =	vor.u32 s31, v0;
	v6 =	vld.idx.msk [tilespmem:v6+s21+$0x0], $0xffff;
	_ =	sdelay $0x4  }
0x11c: {  	s26 =	simm.s32 $0x20;
	v5 =	vld.idx.msk [tilespmem:v5+s21+$0x0], $0xffff;
	v4 =	vmul.f32 v6, v4;
	v3 =	vmin.f32 v3, v6  }
.LBB2_44:
0x11d: {  	v6 =	vor.u32 s26, v0;
	p0 =	sne.s32 s26, $0x1FF0;
	s26 =	sadd.s32 $0x10, s26  }
.Ltmp21:
0x11e: {  	v7 =	vshra.s32 v4, $0x17;
	v4 =	vand.u32 $0x7FFFFF, v4;
	(pc) =	sbr.rel @p0 .LBB2_44-.Ltmp21, $2  }
0x11f: {  	v2 =	vadd.s32 v2, v7;
	v4 =	vor.u32 $0x3F800000, v4;
	_ =	sdelay $0x2  }
0x120: {  	v4 =	vmul.f32 v5, v4;
	v3 =	vmin.f32 v3, v5;
	v5 =	vld.idx.msk [tilespmem:v6+s21+$0x0], $0xffff  }
0x121: {  	_ =	sdelay $0x1  }
0x122: {  	v6 =	vand.u32 $0x7FFFFF, v4  }
0x123: {  	v6 =	vor.u32 $0x3F800000, v6  }
0x124: {  	v6 =	vmul.f32 v5, v6  }
0x125: {  	v4 =	vshra.s32 v4, $0x17  }
0x126: {  	_ =	swait.ge [sflag:s22], $0x80;
	v2 =	vadd.s32 v2, v4;
	v7 =	vshra.s32 v6, $0x17;
	v6 =	vand.u32 $0x7FFFFF, v6  }
0x127: {  	s26 =	simm.s32 $0x3F;
	[sflag:s22] =	ssyncset.done $0x0;
	v4 =	vmin.f32 v3, v5;
	v2 =	vadd.s32 v2, v7;
	v5 =	vor.u32 $0x3F800000, v6  }
.LBB2_46:
0x128: {  	p0 =	sne.s32 s26, $0x1;
	s26 =	sadd.s32 $0xFFFFFFFF, s26;
	[sflag:s22] =	ssyncadd.s32 $0xFFFFFF80  }
.Ltmp22:
0x129: {  	(pc) =	sbr.rel @p0 .LBB2_46-.Ltmp22, $3  }
0x12a: {  	_ =	sdelay $0x1  }
0x12b: {  	_ =	swait.ge [sflag:s22], $0x80  }
0x12c: {  	[sflag:s22] =	ssyncset.done $0x0  }
0x12d: {  	[sflag:s22] =	ssyncadd.s32 $0xFFFFFF80  }
0x12e: {  	_ =	swait.ge [sflag:s22], $0x10  }
0x12f: {  	[sflag:s22] =	ssyncset.done $0x0  }
0x130: {  	[sflag:s22] =	ssyncadd.s32 $0xFFFFFFF0  }
0x131: {  	s26 =	simm.s32 $0x0;
	v3 =	vld [tilespmem:$0x8080]  }
0x132: {  	v6 =	vor.u32 s26, v0;
	_ =	sdelay $0x3  }
0x133: {  	s31 =	simm.s32 $0x10;
	[tilespmem:v1+s23+$0x0] =	vst.idx.msk $0xffff, v3  }
0x134: {  	v3 =	vor.u32 s31, v0;
	v6 =	vld.idx.msk [tilespmem:v6+s23+$0x0], $0xffff;
	_ =	sdelay $0x4  }
0x135: {  	s26 =	simm.s32 $0x20;
	v3 =	vld.idx.msk [tilespmem:v3+s23+$0x0], $0xffff;
	v5 =	vmul.f32 v6, v5;
	v4 =	vmin.f32 v4, v6  }
.LBB2_48:
0x136: {  	v6 =	vor.u32 s26, v0;
	p0 =	sne.s32 s26, $0x1FF0;
	s26 =	sadd.s32 $0x10, s26  }
.Ltmp23:
0x137: {  	v7 =	vshra.s32 v5, $0x17;
	v5 =	vand.u32 $0x7FFFFF, v5;
	(pc) =	sbr.rel @p0 .LBB2_48-.Ltmp23, $2  }
0x138: {  	v2 =	vadd.s32 v2, v7;
	v5 =	vor.u32 $0x3F800000, v5;
	_ =	sdelay $0x2  }
0x139: {  	v5 =	vmul.f32 v3, v5;
	v4 =	vmin.f32 v4, v3;
	v3 =	vld.idx.msk [tilespmem:v6+s23+$0x0], $0xffff  }
0x13a: {  	_ =	sdelay $0x1  }
0x13b: {  	v6 =	vand.u32 $0x7FFFFF, v5  }
0x13c: {  	v6 =	vor.u32 $0x3F800000, v6  }
0x13d: {  	v6 =	vmul.f32 v3, v6;
	_ =	sdelay $0x1  }
0x13e: {  	v7 =	vand.u32 $0x7FFFFF, v6  }
0x13f: {  	v7 =	vor.u32 $0x3F800000, v7  }
0x140: {  	v8 =	vadd.f32 $1.000000000e+00, v7;
	_ =	sdelay $0x1  }
0x141: {  	(erf) = vrcp.f32 v8;
	_ =	sdelay $0x7  }
0x142: {  	v7 =	vadd.f32 $-1.000000000e+00, v7  }
0x143: {  	v8 =	vpop (erf)  }
0x144: {  	v7 =	vmul.f32 v8, v7;
	_ =	sdelay $0x1  }
0x145: {  	v8 =	vmul.f32 v7, v7;
	_ =	sdelay $0x1  }
0x146: {  	v9 =	vmul.f32 $1.111111120e-01, v8;
	_ =	sdelay $0x1  }
0x147: {  	v9 =	vadd.f32 $1.428571490e-01, v9;
	_ =	sdelay $0x1  }
0x148: {  	v9 =	vmul.f32 v9, v8;
	_ =	sdelay $0x1  }
0x149: {  	v9 =	vadd.f32 $2.000000030e-01, v9;
	_ =	sdelay $0x1  }
0x14a: {  	v9 =	vmul.f32 v9, v8;
	_ =	sdelay $0x1  }
0x14b: {  	v60 =	vshra.s32 v5, $0x17;
	v9 =	vadd.f32 $3.333333430e-01, v9  }
0x14c: {  	v2 =	vadd.s32 v2, v60;
	v61 =	vshra.s32 v6, $0x17  }
0x14d: {  	v2 =	vadd.s32 v2, v61;
	v62 =	vmul.f32 v9, v8  }
0x14e: {  	v2 =	vadd.s32 $0xFFF81000, v2  }
0x14f: {  	v2 =	vcvt.s32.f32 v2;
	v63 =	vadd.f32 v7, v7;
	v5 =	vadd.f32 $1.000000000e+00, v62;
	_ =	sdelay $0x1  }
0x150: {  	v2 =	vmul.f32 $6.931471820e-01, v2;
	v5 =	vmul.f32 v5, v63;
	_ =	sdelay $0x1  }
0x151: {  	v3 =	vmin.f32 v4, v3;
	v2 =	vadd.f32 v5, v2  }
0x152: {  	s25 =	sadd.s32 $0x1, s25;
	vm1 =	veq.f32 v3, $0.0e+00  }
0x153: {  	p0 =	sne.s32 s25, s14;
	v2 =	vsel vm1, $0xFF800000, v2  }
.Ltmp24:
0x154: {  	[tilespmem:$0x8100] =	vst v2;
	(pc) =	sbr.rel @p0 .LBB2_1-.Ltmp24, $4  }
0x155: {  	[hbm4b:s13+s3] =	stream.linear.scatter [tilespmem:s24], [sflag:$0x3], $0x10, $0x38;
	[tilespmem:$0x8180] =	vst v63  }
0x156: {  	_ =	swait.ge [sflag:s15], $0x10  }
0x157: {  	[sflag:s15] =	ssyncset.done $0x0  }
0x158: {  	[sflag:s15] =	ssyncadd.s32 $0xFFFFFFF0  }
0x159: {  	_ =	sfence.sel $0x180000  }
0x15a: {  	[bflag:$0x0] =	sbarrier.arrive $0xFFFF  }
0x15b: {  	p0 =	sne.s32 s1, $0x0;
	_ =	strace $0x9000004A  }
0x15c: {  	s0 =	sadd.s32 @!p0 $0x100000, s0;
	[bflag:$0x2] =	sbarrier.arrive $0xFFFF  }
0x15d: {  	[sflag:s0] =	ssyncadd.tile.s32 @!p0 $0x1;
	_ =	shalt  }
.Lfunc_end2:
_tile_overlayer_lowered:
.L_overlay_start_2:
0x15e: {  	(tag) =	ssettag $0x2  }
0x15f: {  	s0 =	rddreg [dreg:$0x0];
	s2 =	stileid.u32  }
0x160: {  	s1 =	rddreg [dreg:$0x1];
	p0 =	sne.s32 s2, $0x0  }
0x161: {  	s3 =	rddreg [dreg:$0x2];
	[bflag:$0x3] =	sbarrier.arrive $0xFFFF;
	s2 =	simm.s32 @!p0 $0x1C03  }
0x162: {  	[timem:s3], [sflag:s2] =	dma.local @!p0 [hbm:s0], s1  }
0x163: {  	s0 =	simm.s32 @!p0 $0x3  }
0x164: {  	_ =	swait.ge @!p0 [sflag:s0], s1  }
0x165: {  	s1 =	ssub.s32 @!p0 $0x0, s1;
	[sflag:s0] =	ssyncset.done @!p0 $0x0  }
0x166: {  	[sflag:s0] =	ssyncadd.s32 @!p0 s1  }
0x167: {  	[bflag:$0x3] =	sbarrier.arrive $0xFFFF  }
0x168: {  	_ =	shalt  }

// kernel: sparse-core-data-format-call.cloned.1.call-start
scs
called_computation_lowered:
.L_overlay_start_0:
0x0: {  	s2 =	sld [smem:$0x3FD9]  }
0x1: {  	s3 =	sld [smem:$0x3FFE];
	_ =	sdelay $0x1  }
0x2: {  	s1 =	srdreg.scid  }
0x3: {  	s0 =	sand.u32 $0x1, s1  }
0x4: {  	s18 =	sshll.u32 s0, $0xA;
	s2 =	sadd.s32 s3, s2  }
0x5: {  	s2 =	sadd.s32 s2, s18  }
0x6: {  	[smem:$0x3FC5] =	sst s2  }
0x7: {  	_ = 	snop  }
0x8: {  	s2 =	sld [smem:$0x3FC7];
	(tm) =	ssettm $0x1  }
0x9: {  	s19 =	sld [smem:$0x3FFB];
	_ =	sdelay $0x3  }
0xa: {  	_ =	strace s19  }
0xb: {  	s3 =	sld [smem:$0x3FFC];
	_ =	sdelay $0x3  }
0xc: {  	_ =	strace s3  }
0xd: {  	s3 =	sld [smem:$0x3FFD];
	_ =	sdelay $0x3  }
0xe: {  	_ =	strace s3  }
0xf: {  	_ =	strace $0x8FFFFFFF  }
0x10: {  	s20 =	sld [smem:$0x3FDB];
	_ =	sdelay $0x1  }
0x11: {  	s4 =	simm.s32 $_scs_section_size  }
0x12: {  	s5 =	simm.s32 $_size__tile_overlayer_lowered;
	s6 =	simm.s32 $_tile_overlayer_lowered  }
0x13: {  	s23 =	simm.s32 $0x1BFF;
	s22 =	sshll.u32 s6, $0x1;
	s3 =	sadd.s32 s4, s20  }
0x14: {  	s7 =	simm.s32 $0x0;
	s21 =	sshll.u32 s5, $0x1;
	s5 =	sadd.s32 s22, s3  }
0x15: {  	[timem:s7], [sflag:s23] =	dma.local [hbm:s5], s21  }
0x16: {  	_ =	swait.ge [sflag:s23], s21  }
0x17: {  	s4 =	ssub.s32 $0x0, s21;
	[sflag:s23] =	ssyncset.done $0x0  }
0x18: {  	[sflag:s23] =	ssyncadd.s32 s4;
	_ =	sdelay $0x1  }
0x19: {  	s24 =	simm.s32 $0x1B8B  }
0x1a: {  	_ =	swait.ge [sflag:s24], $0x1  }
0x1b: {  	[sflag:s24] =	ssyncset.done $0x0  }
0x1c: {  	s26 =	simm.s32 $0x1B8E;
	s25 =	sld [smem:$0x3FFE];
	[sflag:s24] =	ssyncadd.s32 $0xFFFFFFFF  }
0x1d: {  	s27 =	simm.s32 $execute0_lowered;
	[smem:$0x3FD2] =	sst s26  }
0x1e: {  	s5 =	sshll.u32 s27, $0x1;
	_ =	strace $0x80000046;
	[dreg:$0x1] =	wrdreg $0xFFFFFFFF  }
0x1f: {  	s28 =	simm.s32 $_size_execute0_lowered;
	s3 =	sadd.s32 s3, s5;
	[dreg:$0x0] =	wrdreg $0x0  }
0x20: {  	s5 =	sshll.u32 s28, $0x1;
	[dreg:$0x2] =	wrdreg s3  }
0x21: {  	[dreg:$0x3] =	wrdreg s5  }
0x22: {  	[dreg:$0x4] =	wrdreg $0xC0  }
0x23: {  	_ =	task [dreg:s7], $0x5FFFF  }
0x24: {  	[dreg:$0x1] =	wrdreg $0xFFFFFFFF  }
0x25: {  	[dreg:$0x0] =	wrdreg $0x60  }
0x26: {  	[dreg:$0x2] =	wrdreg s2  }
0x27: {  	[dreg:$0x3] =	wrdreg s25  }
0x28: {  	[dreg:$0x4] =	wrdreg $0x9  }
0x29: {  	_ =	task.clear_ibuf [dreg:s7], $0x5FFFF;
	_ =	strace $0x90000046  }
0x2a: {  	s29 =	simm.s32 $0x9;
	_ =	strace $0x80000048  }
0x2b: {  	_ =	swait.ge [sflag:s29], $0x1  }
0x2c: {  	[sflag:s29] =	ssyncadd.s32 $0xFFFFFFFF  }
0x2d: {  	_ =	strace $0x90000048  }
0x2e: {  	_ =	sfence  }
0x2f: {  	s30 =	sld [smem:$0x0];
	_ =	sdelay $0x2  }
0x30: {  	s31 =	sshll.u32 s1, $0xD;
	s1 =	sshrl.u32 s1, $0x2  }
0x31: {  	s3 =	sand.u32 $0x4000, s31;
	s1 =	sadd.s32 s1, s30  }
0x32: {  	s0 =	sor.u32 s3, s0;
	s1 =	sshll.u32 s1, $0x11  }
0x33: {  	s0 =	sor.u32 s1, s0  }
0x34: {  	s0 =	sadd.s32 $0x8F2B, s0  }
0x35: {  	[sflag:s0] =	ssyncadd.remote.s32 $0x1  }
0x36: {  	_ =	sfence.sel $0xFFFF  }
0x37: {  	[dreg:$0x0] =	wrdreg $0xFFFFFFFF;
	(pc) =	sbr.abs _section_cstart, $3  }
0x38: {  	[dreg:$0x1] =	wrdreg $0xFFFFFFFF  }
0x39: {  	_ =	task.clear_ibuf [dreg:s7], $0x2FFFF;
	_ =	strace $0x9FFFFFFF  }
0x3a: {  	(tm) =	ssettm $0x7FFFFFFF  }
0x3b: {  	_ =	shalt  }
tec
execute0_lowered:
.L_overlay_start_1:
0x0: {  	(tag) =	ssettag $0x1  }
0x1: {  	s2 =	rddreg [dreg:$0x0]  }
0x2: {  	s1 =	rddreg [dreg:$0x1]  }
0x3: {  	s0 =	rddreg [dreg:$0x2];
	_ =	strace $0x80000047;
	s4 =	srdreg.scid  }
0x4: {  	s6 =	simm.s32 $0x2;
	s11 =	simm.s32 $0x0;
	p0 =	por $0x0, $0x0  }
.Ltmp0:
0x5: {  	s7 =	simm.s32 $0x2000;
	s12 =	simm.s32 $0x0;
	(pc) =	sbr.rel .LBB1_1-.Ltmp0, $4  }
0x6: {  	s9 =	simm.s32 $0x0;
	s3 =	sadd.s32 $0x800, s1;
	s5 =	sshll.u32 s4, $0x4  }
0x7: {  	s1 =	stileid.u32;
	s4 =	simm.s32 $0x1;
	s5 =	sand.u32 $0x10, s5  }
0x8: {  	s8 =	simm.s32 $0x0;
	[sflag:s4] =	ssyncpa.u1 $0x0;
	s5 =	sor.u32 s1, s5  }
0x9: {  	[sflag:s6] =	ssyncpa.u1 $0x0;
	s6 =	simm.s32 $0x800;
	s10 =	smov.u32 s5  }
.LBB1_7:
0xa: {  	s13 =	sadd.s32 $0x10, s9  }
0xb: {  	s11 =	sadd.s32 $0x20, s10;
	s15 =	smov.u32 s10;
	p2 =	sgt.s32 s13, $0x3F  }
0xc: {  	p1 =	slt.u32 s8, $0x2;
	s15 =	smov.u32 @p2 s11  }
0xd: {  	s8 =	sadd.s32 $0x1, s8;
	s13 =	simm.s32 @p2 $0x0;
	p2 =	sgt.s32 s15, $0x3FF  }
0xe: {  	s15 =	smov.u32 @p2 s5;
	p2 =	sne.s32 s8, $0x82  }
.Ltmp1:
0xf: {  	_ = 	snop;
	(pc) =	sbr.rel @!p2 .LBB1_8-.Ltmp1, $4  }
0x10: {  	s14 =	simm.s32 @!p1 $0x2  }
0x11: {  	s12 =	smov.u32 s10;
	_ =	swait.ge @!p1 [sflag:s14], $0x4000  }
0x12: {  	p0 =	por !p0, !p0;
	s11 =	smov.u32 s9;
	[sflag:s14] =	ssyncset.done @!p1 $0x0  }
0x13: {  	s9 =	smov.u32 s13;
	[sflag:s14] =	ssyncadd.s32 @!p1 $0xFFFFC000;
	s10 =	smov.u32 s15  }
.LBB1_1:
0x14: {  	p1 =	sgt.u32 s8, $0x7F  }
0x15: {  	s13 =	sxor.u32 @!p1 $0xFFFFFFFF, s8;
	s14 =	sshll.u32 @!p1 s10, $0xD  }
0x16: {  	s15 =	sshll.u32 @!p1 s9, $0x7;
	s13 =	sshll.u32 @!p1 s13, $0xE;
	s14 =	sadd.s32 @!p1 s2, s14  }
0x17: {  	s13 =	sand.u32 @!p1 $0x4000, s13;
	s14 =	sadd.s32 @!p1 s15, s14;
	s15 =	simm.s32 @!p1 $0x0  }
0x18: {  	[tilespmem:s13], [sflag:$0x1] =	stream.linear.gather @!p1 [hbm4b:s14+s15], $0x4000, $0x38;
	[tilespmem:$0x10000] =	vst v63  }
0x19: {  	p1 =	seq.s32 s8, $0x0  }
0x1a: {  	p2 =	seq.s32 @!p1 s8, $0x81  }
0x1b: {  	p1 =	por p1, p2  }
.Ltmp2:
0x1c: {  	_ = 	snop;
	(pc) =	sbr.rel @p1 .LBB1_7-.Ltmp2, $1  }
0x1d: {  	_ =	sdelay $0x3  }
0x1e: {  	s13 =	simm.s32 $0x1;
	_ =	swait.ge [sflag:s4], $0x4000;
	s16 =	sshll.u32 s8, $0xE  }
0x1f: {  	s13 =	simm.s32 @!p0 $0x0;
	[sflag:s4] =	ssyncset.done $0x0;
	s31 =	sand.u32 $0x4000, s16  }
0x20: {  	s16 =	simm.s32 $0x0;
	s14 =	sshll.u32 s13, $0xE;
	[sflag:s4] =	ssyncadd.s32 $0xFFFFC000  }
0x21: {  	s13 =	sor.u32 $0x8040, s14;
	s15 =	sor.u32 $0x40, s14;
	s14 =	sor.u32 $0x8000, s31  }
.LBB1_3:
0x22: {  	v0 =	vmov s15;
	_ =	sdelay $0x3  }
0x23: {  	s18 =	simm.s32 $0x0  }
0x24: {  	v6 =	vld.idx.msk [tilespmem:v0+s18+$0x30 ss:$0x1], $0xffff  }
0x25: {  	v7 =	vld.idx.msk [tilespmem:v0+s18+$0xFFFFFFC0 ss:$0x1], $0xffff  }
0x26: {  	v5 =	vld.idx.msk [tilespmem:v0+s18+$0xFFFFFFD0 ss:$0x1], $0xffff  }
0x27: {  	v4 =	vld.idx.msk [tilespmem:v0+s18+$0xFFFFFFE0 ss:$0x1], $0xffff  }
0x28: {  	v3 =	vld.idx.msk [tilespmem:v0+s18+$0xFFFFFFF0 ss:$0x1], $0xffff  }
0x29: {  	v1 =	vld.idx.msk [tilespmem:v0+s18+$0x0 ss:$0x1], $0xffff  }
0x2a: {  	v2 =	vld.idx.msk [tilespmem:v0+s18+$0x10 ss:$0x1], $0xffff;
	[tilespmem:s13+$0x30] =	vst v6  }
0x2b: {  	s17 =	simm.s32 $0x80;
	s19 =	simm.s32 $0x400;
	[tilespmem:s13+$0xFFFFFFC0] =	vst v7;
	v6 =	vld.idx.msk [tilespmem:v0+s18+$0x20 ss:$0x1], $0xffff;
	s18 =	smov.u32 s13  }
.LBB1_4:
0x2c: {  	p1 =	sne.s32 s19, $0xE00;
	v7 =	vld.idx.msk [tilespmem:v0+s17+$0x30 ss:$0x1], $0xffff;
	[tilespmem:s18+$0xFFFFFFD0] =	vst v5  }
0x2d: {  	v8 =	vld.idx.msk [tilespmem:v0+s17+$0xFFFFFFC0 ss:$0x1], $0xffff;
	[tilespmem:s18+$0xFFFFFFE0] =	vst v4  }
0x2e: {  	v5 =	vld.idx.msk [tilespmem:v0+s17+$0xFFFFFFD0 ss:$0x1], $0xffff;
	[tilespmem:s18+$0xFFFFFFF0] =	vst v3  }
.Ltmp3:
0x2f: {  	v4 =	vld.idx.msk [tilespmem:v0+s17+$0xFFFFFFE0 ss:$0x1], $0xffff;
	[tilespmem:s18+$0x0] =	vst v1;
	(pc) =	sbr.rel @p1 .LBB1_4-.Ltmp3, $4  }
0x30: {  	v3 =	vld.idx.msk [tilespmem:v0+s17+$0xFFFFFFF0 ss:$0x1], $0xffff;
	[tilespmem:s18+$0x10] =	vst v2  }
0x31: {  	v1 =	vld.idx.msk [tilespmem:v0+s17+$0x0 ss:$0x1], $0xffff;
	[tilespmem:s18+$0x20] =	vst v6;
	s18 =	sadd.s32 $0x800, s18  }
0x32: {  	v2 =	vld.idx.msk [tilespmem:v0+s17+$0x10 ss:$0x1], $0xffff;
	[tilespmem:s18+$0x30] =	vst v7  }
0x33: {  	[tilespmem:s18+$0xFFFFFFC0] =	vst v8;
	v6 =	vld.idx.msk [tilespmem:v0+s17+$0x20 ss:$0x1], $0xffff;
	s17 =	sshra.s32 s19, $0x2;
	s19 =	sadd.s32 $0x200, s19  }
0x34: {  	_ =	sdelay $0x2  }
0x35: {  	[tilespmem:s18+$0xFFFFFFD0] =	vst v5  }
0x36: {  	v56 =	vld.idx.msk [tilespmem:v0+s17+$0x30 ss:$0x1], $0xffff;
	[tilespmem:s18+$0xFFFFFFE0] =	vst v4  }
0x37: {  	v57 =	vld.idx.msk [tilespmem:v0+s17+$0xFFFFFFC0 ss:$0x1], $0xffff;
	[tilespmem:s18+$0xFFFFFFF0] =	vst v3  }
0x38: {  	v58 =	vld.idx.msk [tilespmem:v0+s17+$0xFFFFFFD0 ss:$0x1], $0xffff;
	[tilespmem:s18+$0x0] =	vst v1  }
0x39: {  	v59 =	vld.idx.msk [tilespmem:v0+s17+$0xFFFFFFE0 ss:$0x1], $0xffff;
	[tilespmem:s18+$0x10] =	vst v2  }
0x3a: {  	v60 =	vld.idx.msk [tilespmem:v0+s17+$0xFFFFFFF0 ss:$0x1], $0xffff;
	s31 =	sadd.s32 $0x800, s18;
	[tilespmem:s18+$0x20] =	vst v6  }
0x3b: {  	v61 =	vld.idx.msk [tilespmem:v0+s17+$0x0 ss:$0x1], $0xffff;
	[tilespmem:s31+$0x30] =	vst v56  }
0x3c: {  	v62 =	vld.idx.msk [tilespmem:v0+s17+$0x10 ss:$0x1], $0xffff;
	s16 =	sadd.s32 $0x1, s16;
	[tilespmem:s31+$0xFFFFFFC0] =	vst v57  }
0x3d: {  	v63 =	vld.idx.msk [tilespmem:v0+s17+$0x20 ss:$0x1], $0xffff;
	p1 =	sne.s32 s16, $0x10;
	[tilespmem:s31+$0xFFFFFFD0] =	vst v58  }
.Ltmp4:
0x3e: {  	[tilespmem:s31+$0xFFFFFFE0] =	vst v59;
	(pc) =	sbr.rel @p1 .LBB1_3-.Ltmp4, $4  }
0x3f: {  	[tilespmem:s31+$0xFFFFFFF0] =	vst v60  }
0x40: {  	[tilespmem:s31+$0x0] =	vst v61  }
0x41: {  	[tilespmem:s31+$0x10] =	vst v62  }
0x42: {  	s13 =	sadd.s32 $0x80, s13;
	s15 =	sadd.s32 $0x400, s15;
	[tilespmem:s31+$0x20] =	vst v63  }
.Ltmp5:
0x43: {  	(pc) =	sbr.rel .LBB1_7-.Ltmp5, $4  }
0x44: {  	s12 =	sshll.u32 s12, $0xD;
	s11 =	sshll.u32 s11, $0x4  }
0x45: {  	s11 =	sand.u32 $0x3F0, s11;
	s12 =	sadd.s32 s3, s12  }
0x46: {  	s11 =	sadd.s32 s11, s12  }
0x47: {  	[hbm4b:s11+s6] =	stream.strided.scatter [tilespmem:s14], [sflag:$0x2], $0x4000, s7, s6, $0x38;
	[tilespmem:$0x10000] =	vst v63  }
.LBB1_8:
0x48: {  	_ =	sfence.sel $0x180000  }
0x49: {  	s2 =	simm.s32 $0x1;
	[bflag:$0x0] =	sbarrier.arrive $0xFFFF  }
0x4a: {  	s31 =	simm.s32 $0x2;
	[sflag:s2] =	ssyncpa.u1 $0x1  }
0x4b: {  	[sflag:s31] =	ssyncpa.u1 $0x1  }
0x4c: {  	p0 =	sne.s32 s1, $0x0;
	_ =	strace $0x90000047  }
0x4d: {  	s0 =	sadd.s32 @!p0 $0x100000, s0;
	[bflag:$0x2] =	sbarrier.arrive $0xFFFF  }
0x4e: {  	[sflag:s0] =	ssyncadd.tile.s32 @!p0 $0x1;
	_ =	shalt  }
.Lfunc_end1:
_tile_overlayer_lowered:
.L_overlay_start_2:
0x4f: {  	(tag) =	ssettag $0x2  }
0x50: {  	s0 =	rddreg [dreg:$0x0];
	s2 =	stileid.u32  }
0x51: {  	s1 =	rddreg [dreg:$0x1];
	p0 =	sne.s32 s2, $0x0  }
0x52: {  	s3 =	rddreg [dreg:$0x2];
	[bflag:$0x3] =	sbarrier.arrive $0xFFFF;
	s2 =	simm.s32 @!p0 $0x1C01  }
0x53: {  	[timem:s3], [sflag:s2] =	dma.local @!p0 [hbm:s0], s1  }
0x54: {  	s0 =	simm.s32 @!p0 $0x1  }
0x55: {  	_ =	swait.ge @!p0 [sflag:s0], s1  }
0x56: {  	s1 =	ssub.s32 @!p0 $0x0, s1;
	[sflag:s0] =	ssyncset.done @!p0 $0x0  }
0x57: {  	[sflag:s0] =	ssyncadd.s32 @!p0 s1  }
0x58: {  	[bflag:$0x3] =	sbarrier.arrive $0xFFFF  }
0x59: {  	_ =	shalt  }

</sc_bundles>
